<compile_context>
chip_gen: v7x
topology: tpu7x:2x2x1
jax: 0.10.2.dev20260603
libtpu: 0.0.44.dev20260713+nightly
codegen_flags: <defaults>
</compile_context>

<pallas_src>
import jax
import jax.numpy as jnp
from jax import lax
from jax.experimental import pallas as pl
from jax.experimental.pallas import tpu as pltpu
from jax.experimental.pallas import tpu_sc as plsc

D = 128
B = 4096
L = 200
LANES = 16
NVEC = D // LANES

CH0 = 128
CH1 = L - CH0
NBUF = 4

NC = 2
NS = 16
NW = NC * NS
BPW = B // NW
GROUPS = BPW // 2


def _chunk(u):
    return u // 2, (u % 2) * CH0, CH0 if u % 2 == 0 else CH1


def _sc_body(ids_hbm, table_hbm, out_hbm, idx_v, rows_v, out_v,
             sem0, sem1, sem2, sem3):
    sems = (sem0, sem1, sem2, sem3)
    wid = lax.axis_index("s") * NC + lax.axis_index("c")

    pltpu.sync_copy(ids_hbm.at[pl.ds(wid * BPW * L, BPW * L)], idx_v)

    def start(g, u):
        dr, off, sz = _chunk(u)
        row = 2 * g + dr
        pltpu.async_copy(
            table_hbm.at[idx_v.at[pl.ds(row * L + off, sz)]],
            rows_v.at[u, pl.ds(0, sz)],
            sems[u])

    def wait(u):
        _, _, sz = _chunk(u)
        pltpu.make_async_copy(
            table_hbm.at[pl.ds(0, sz)], rows_v.at[u, pl.ds(0, sz)],
            sems[u]).wait()

    for u in range(NBUF):
        start(0, u)

    zeros = (jnp.zeros((LANES,), jnp.float32),) * NVEC

    def accum(u, acc):
        _, _, sz = _chunk(u)
        rv = rows_v.at[u]

        def jbody(j, a):
            for r in range(4):
                a = tuple(a[k] + rv[4 * j + r, pl.ds(k * LANES, LANES)]
                          for k in range(NVEC))
            return a

        return lax.fori_loop(0, sz // 4, jbody, acc)

    def gbody(g, carry):
        acc = zeros
        for u in range(NBUF):
            wait(u)

            @pl.when(g < GROUPS - 1)
            def _():
                start(g + 1, u)

            if u % 2 == 0:
                acc = accum(u, zeros)
            else:
                acc = accum(u, acc)
                row = 2 * g + u // 2
                for k in range(NVEC):
                    out_v[row, pl.ds(k * LANES, LANES)] = acc[k]
        return carry

    lax.fori_loop(0, GROUPS, gbody, 0)
    pltpu.sync_copy(out_v, out_hbm.at[pl.ds(wid * BPW, BPW)])


def kernel(input_ids, table):
    ids_flat = input_ids.reshape(B * L).astype(jnp.int32)
    f = pl.kernel(
        _sc_body,
        mesh=plsc.VectorSubcoreMesh(core_axis_name="c", subcore_axis_name="s"),
        out_type=jax.ShapeDtypeStruct((B, D), jnp.float32),
        scratch_types=[
            pltpu.VMEM((BPW * L,), jnp.int32),
            pltpu.VMEM((NBUF, CH0, D), jnp.float32),
            pltpu.VMEM((BPW, D), jnp.float32),
            pltpu.SemaphoreType.DMA,
            pltpu.SemaphoreType.DMA,
            pltpu.SemaphoreType.DMA,
            pltpu.SemaphoreType.DMA,
        ],
    )
    return f(ids_flat, table)

# --- scband reference (transcript-rebuilt; emitter-appended) ---
"""Pipeline reference for scband-just-embedding-encoder-6597069767379 (READ-ONLY COPY).

The authoritative reference and input builder live on the scoring server;
editing this copy changes nothing except your own understanding.
"""

import jax, jax.numpy as jnp
import numpy as np

VOCAB = 100000
EMBED_DIM = 128
BATCH = 4096
HIST_LEN = 200


def setup_inputs(seed: int = 0) -> dict:
    key = jax.random.key(seed)
    k_idx, k_tab = jax.random.split(key)
    input_ids = jax.random.randint(k_idx, (BATCH, HIST_LEN), 0, VOCAB, dtype=jnp.int64)
    # learned parameter: embedding table sized per init_kwargs
    table = jax.random.normal(k_tab, (VOCAB, EMBED_DIM), dtype=jnp.float32) * 0.02
    return {"input_ids": input_ids, "table": table}


def reference(input_ids, table):
    # JustEmbeddingEncoder.forward:
    #   x = self.embedding(input_ids)   -> gather rows from table
    #   x = x.sum(dim=1)                -> sum over sequence dimension
    #   return {'pooler_output': x}
    x = jnp.take(table, input_ids, axis=0)  # [B, L, D]
    pooler_output = x.sum(axis=1)           # [B, D]
    return pooler_output

if __name__ == "__main__":
    import jax
    _d = setup_inputs()
    print(jax.jit(kernel)(*tuple(_d.values())))

</pallas_src>

<mosaic_0001>
#map = affine_map<(d0, d1) -> (0)>
#map1 = affine_map<(d0, d1) -> (0, 0)>
module attributes {stable_mosaic.version = 14 : i64} {
  func.func @_sc_body(%arg0: i32, %arg1: i32, %arg2: memref<819200xi32, #tpu.memory_space<hbm>>, %arg3: memref<100000x128xf32, #tpu.memory_space<hbm>>, %arg4: memref<4096x128xf32, #tpu.memory_space<hbm>>, %arg5: memref<25600xi32, #tpu.memory_space<vmem>>, %arg6: memref<4x128x128xf32, #tpu.memory_space<vmem>>, %arg7: memref<128x128xf32, #tpu.memory_space<vmem>>, %arg8: memref<!tpu.dma_semaphore, #tpu.memory_space<semaphore_mem>>, %arg9: memref<!tpu.dma_semaphore, #tpu.memory_space<semaphore_mem>>, %arg10: memref<!tpu.dma_semaphore, #tpu.memory_space<semaphore_mem>>, %arg11: memref<!tpu.dma_semaphore, #tpu.memory_space<semaphore_mem>>) attributes {dimension_semantics = [#tpu.dimension_semantics<core_parallel>, #tpu.dimension_semantics<subcore_parallel>], iteration_bounds = array<i64: 2, 16>, scalar_prefetch = 0 : i64, scratch_operands = 7 : i64, tpu.core_type = #tpu.core_type<sc_vector_subcore>, window_params = [{transform_indices = #map}, {transform_indices = #map1}, {transform_indices = #map1}]} {
    %mul3A = arith.constant 2 : i32
    %mul3A_0 = arith.muli %arg1, %mul3A : i32
    %add3A = arith.addi %mul3A_0, %arg0 : i32
    %mul3A_1 = arith.constant 128 : i32
    %mul3A_2 = arith.muli %add3A, %mul3A_1 : i32
    %mul3A_3 = arith.constant 200 : i32
    %mul3A_4 = arith.muli %mul3A_2, %mul3A_3 : i32
    "tpu.region"() ({
      %run_scoped3A = tpu.sem_alloc : memref<!tpu.dma_semaphore, #tpu.memory_space<semaphore_mem>>
      %dma_start3A_52 = tpu.memref_slice %arg2[%mul3A_4] : memref<819200xi32, #tpu.memory_space<hbm>> -> memref<25600xi32, #tpu.memory_space<hbm>>
      %dma_start3A_53 = tpu.memref_slice %arg2[%mul3A_4] : memref<819200xi32, #tpu.memory_space<hbm>> -> memref<25600xi32, #tpu.memory_space<hbm>>
      tpu.enqueue_dma source(%dma_start3A_53 : memref<25600xi32, #tpu.memory_space<hbm>>) target(%arg5 : memref<25600xi32, #tpu.memory_space<vmem>>) target_semaphore(%run_scoped3A : memref<!tpu.dma_semaphore, #tpu.memory_space<semaphore_mem>>)
      %dma_wait3A = tpu.memref_slice %arg2[%mul3A_4] : memref<819200xi32, #tpu.memory_space<hbm>> -> memref<25600xi32, #tpu.memory_space<hbm>>
      %dma_wait3A_54 = tpu.memref_slice %arg2[%mul3A_4] : memref<819200xi32, #tpu.memory_space<hbm>> -> memref<25600xi32, #tpu.memory_space<hbm>>
      tpu.wait_dma2 semaphore(%run_scoped3A : memref<!tpu.dma_semaphore, #tpu.memory_space<semaphore_mem>>) src(%dma_wait3A_54 : memref<25600xi32, #tpu.memory_space<hbm>>) dst(%arg5 : memref<25600xi32, #tpu.memory_space<vmem>>)
      tpu.yield
    }) : () -> ()
    %dma_start3A = arith.constant 0 : i32
    %dma_start3A_5 = arith.constant 0 : i32
    %dma_start3A_6 = arith.constant 0 : i32
    %dma_start3A_7 = tpu.memref_slice %arg6[%dma_start3A, %dma_start3A_5, %dma_start3A_6] : memref<4x128x128xf32, #tpu.memory_space<vmem>> -> memref<1x128x128xf32, #tpu.memory_space<vmem>>
    %dma_start3A_8 = tpu.memref_squeeze %dma_start3A_7 : memref<1x128x128xf32, #tpu.memory_space<vmem>> -> memref<128x128xf32, #tpu.memory_space<vmem>>
    %dma_start3A_9 = arith.constant 0 : i32
    %dma_start3A_10 = tpu.memref_slice %arg5[%dma_start3A_9] : memref<25600xi32, #tpu.memory_space<vmem>> -> memref<128xi32, #tpu.memory_space<vmem>>
    %dma_start3A_11 = arith.constant 0 : i32
    %dma_start3A_12 = arith.constant 0 : i32
    %dma_start3A_13 = tpu.memref_slice %arg3[%dma_start3A_11, %dma_start3A_12] : memref<100000x128xf32, #tpu.memory_space<hbm>> -> memref<100000x128xf32, #tpu.memory_space<hbm>>
    tpu.enqueue_indirect_dma source(%dma_start3A_13 : memref<100000x128xf32, #tpu.memory_space<hbm>>) target(%dma_start3A_8 : memref<128x128xf32, #tpu.memory_space<vmem>>) offsets(%dma_start3A_10 : memref<128xi32, #tpu.memory_space<vmem>>) semaphore(%arg8 : memref<!tpu.dma_semaphore, #tpu.memory_space<semaphore_mem>>)
    %dma_start3A_14 = arith.constant 1 : i32
    %dma_start3A_15 = arith.constant 0 : i32
    %dma_start3A_16 = arith.constant 0 : i32
    %dma_start3A_17 = tpu.memref_slice %arg6[%dma_start3A_14, %dma_start3A_15, %dma_start3A_16] : memref<4x128x128xf32, #tpu.memory_space<vmem>> -> memref<1x72x128xf32, #tpu.memory_space<vmem>>
    %dma_start3A_18 = tpu.memref_squeeze %dma_start3A_17 : memref<1x72x128xf32, #tpu.memory_space<vmem>> -> memref<72x128xf32, #tpu.memory_space<vmem>>
    %dma_start3A_19 = arith.constant 128 : i32
    %dma_start3A_20 = tpu.memref_slice %arg5[%dma_start3A_19] : memref<25600xi32, #tpu.memory_space<vmem>> -> memref<72xi32, #tpu.memory_space<vmem>>
    %dma_start3A_21 = arith.constant 0 : i32
    %dma_start3A_22 = arith.constant 0 : i32
    %dma_start3A_23 = tpu.memref_slice %arg3[%dma_start3A_21, %dma_start3A_22] : memref<100000x128xf32, #tpu.memory_space<hbm>> -> memref<100000x128xf32, #tpu.memory_space<hbm>>
    tpu.enqueue_indirect_dma source(%dma_start3A_23 : memref<100000x128xf32, #tpu.memory_space<hbm>>) target(%dma_start3A_18 : memref<72x128xf32, #tpu.memory_space<vmem>>) offsets(%dma_start3A_20 : memref<72xi32, #tpu.memory_space<vmem>>) semaphore(%arg9 : memref<!tpu.dma_semaphore, #tpu.memory_space<semaphore_mem>>)
    %dma_start3A_24 = arith.constant 2 : i32
    %dma_start3A_25 = arith.constant 0 : i32
    %dma_start3A_26 = arith.constant 0 : i32
    %dma_start3A_27 = tpu.memref_slice %arg6[%dma_start3A_24, %dma_start3A_25, %dma_start3A_26] : memref<4x128x128xf32, #tpu.memory_space<vmem>> -> memref<1x128x128xf32, #tpu.memory_space<vmem>>
    %dma_start3A_28 = tpu.memref_squeeze %dma_start3A_27 : memref<1x128x128xf32, #tpu.memory_space<vmem>> -> memref<128x128xf32, #tpu.memory_space<vmem>>
    %dma_start3A_29 = arith.constant 200 : i32
    %dma_start3A_30 = tpu.memref_slice %arg5[%dma_start3A_29] : memref<25600xi32, #tpu.memory_space<vmem>> -> memref<128xi32, #tpu.memory_space<vmem>>
    %dma_start3A_31 = arith.constant 0 : i32
    %dma_start3A_32 = arith.constant 0 : i32
    %dma_start3A_33 = tpu.memref_slice %arg3[%dma_start3A_31, %dma_start3A_32] : memref<100000x128xf32, #tpu.memory_space<hbm>> -> memref<100000x128xf32, #tpu.memory_space<hbm>>
    tpu.enqueue_indirect_dma source(%dma_start3A_33 : memref<100000x128xf32, #tpu.memory_space<hbm>>) target(%dma_start3A_28 : memref<128x128xf32, #tpu.memory_space<vmem>>) offsets(%dma_start3A_30 : memref<128xi32, #tpu.memory_space<vmem>>) semaphore(%arg10 : memref<!tpu.dma_semaphore, #tpu.memory_space<semaphore_mem>>)
    %dma_start3A_34 = arith.constant 3 : i32
    %dma_start3A_35 = arith.constant 0 : i32
    %dma_start3A_36 = arith.constant 0 : i32
    %dma_start3A_37 = tpu.memref_slice %arg6[%dma_start3A_34, %dma_start3A_35, %dma_start3A_36] : memref<4x128x128xf32, #tpu.memory_space<vmem>> -> memref<1x72x128xf32, #tpu.memory_space<vmem>>
    %dma_start3A_38 = tpu.memref_squeeze %dma_start3A_37 : memref<1x72x128xf32, #tpu.memory_space<vmem>> -> memref<72x128xf32, #tpu.memory_space<vmem>>
    %dma_start3A_39 = arith.constant 328 : i32
    %dma_start3A_40 = tpu.memref_slice %arg5[%dma_start3A_39] : memref<25600xi32, #tpu.memory_space<vmem>> -> memref<72xi32, #tpu.memory_space<vmem>>
    %dma_start3A_41 = arith.constant 0 : i32
    %dma_start3A_42 = arith.constant 0 : i32
    %dma_start3A_43 = tpu.memref_slice %arg3[%dma_start3A_41, %dma_start3A_42] : memref<100000x128xf32, #tpu.memory_space<hbm>> -> memref<100000x128xf32, #tpu.memory_space<hbm>>
    tpu.enqueue_indirect_dma source(%dma_start3A_43 : memref<100000x128xf32, #tpu.memory_space<hbm>>) target(%dma_start3A_38 : memref<72x128xf32, #tpu.memory_space<vmem>>) offsets(%dma_start3A_40 : memref<72xi32, #tpu.memory_space<vmem>>) semaphore(%arg11 : memref<!tpu.dma_semaphore, #tpu.memory_space<semaphore_mem>>)
    %broadcast_in_dim3A = arith.constant 0.000000e+00 : f32
    %broadcast_in_dim3A_44 = vector.broadcast %broadcast_in_dim3A : f32 to vector<16xf32>
    %scan3A = arith.constant 0 : i32
    %scan3A_45 = arith.constant 0 : i32
    %scan3A_46 = arith.constant 64 : i32
    %scan3A_47 = arith.addi %scan3A_45, %scan3A_46 : i32
    %scan3A_48 = arith.constant 1 : i32
    scf.for %scan3A_52 = %scan3A_45 to %scan3A_47 step %scan3A_48  : i32 {
      %dma_wait3A = arith.constant 0 : i32
      %dma_wait3A_53 = arith.constant 0 : i32
      %dma_wait3A_54 = arith.constant 0 : i32
      %dma_wait3A_55 = tpu.memref_slice %arg6[%dma_wait3A, %dma_wait3A_53, %dma_wait3A_54] : memref<4x128x128xf32, #tpu.memory_space<vmem>> -> memref<1x128x128xf32, #tpu.memory_space<vmem>>
      %dma_wait3A_56 = tpu.memref_squeeze %dma_wait3A_55 : memref<1x128x128xf32, #tpu.memory_space<vmem>> -> memref<128x128xf32, #tpu.memory_space<vmem>>
      %dma_wait3A_57 = arith.constant 0 : i32
      %dma_wait3A_58 = arith.constant 0 : i32
      %dma_wait3A_59 = tpu.memref_slice %arg3[%dma_wait3A_57, %dma_wait3A_58] : memref<100000x128xf32, #tpu.memory_space<hbm>> -> memref<128x128xf32, #tpu.memory_space<hbm>>
      %dma_wait3A_60 = arith.constant 0 : i32
      %dma_wait3A_61 = arith.constant 0 : i32
      %dma_wait3A_62 = tpu.memref_slice %arg6[%dma_wait3A, %dma_wait3A_60, %dma_wait3A_61] : memref<4x128x128xf32, #tpu.memory_space<vmem>> -> memref<1x128x128xf32, #tpu.memory_space<vmem>>
      %dma_wait3A_63 = tpu.memref_squeeze %dma_wait3A_62 : memref<1x128x128xf32, #tpu.memory_space<vmem>> -> memref<128x128xf32, #tpu.memory_space<vmem>>
      %dma_wait3A_64 = arith.constant 0 : i32
      %dma_wait3A_65 = arith.constant 0 : i32
      %dma_wait3A_66 = tpu.memref_slice %arg3[%dma_wait3A_64, %dma_wait3A_65] : memref<100000x128xf32, #tpu.memory_space<hbm>> -> memref<128x128xf32, #tpu.memory_space<hbm>>
      tpu.wait_dma2 semaphore(%arg8 : memref<!tpu.dma_semaphore, #tpu.memory_space<semaphore_mem>>) src(%dma_wait3A_66 : memref<128x128xf32, #tpu.memory_space<hbm>>) dst(%dma_wait3A_63 : memref<128x128xf32, #tpu.memory_space<vmem>>)
      %lt3A = arith.constant 63 : i32
      %lt3A_67 = arith.cmpi slt, %scan3A_52, %lt3A : i32
      %convert_element_type3A = arith.extui %lt3A_67 : i1 to i32
      %cond3A = arith.constant 0 : i32
      %cond3A_68 = arith.cmpi ne, %convert_element_type3A, %cond3A : i32
      scf.if %cond3A_68 {
        %add3A_244 = arith.constant 1 : i32
        %add3A_245 = arith.addi %scan3A_52, %add3A_244 : i32
        %mul3A_246 = arith.constant 2 : i32
        %mul3A_247 = arith.muli %mul3A_246, %add3A_245 : i32
        %add3A_248 = arith.constant 0 : i32
        %add3A_249 = arith.addi %mul3A_247, %add3A_248 : i32
        %mul3A_250 = arith.constant 200 : i32
        %mul3A_251 = arith.muli %add3A_249, %mul3A_250 : i32
        %add3A_252 = arith.constant 0 : i32
        %add3A_253 = arith.addi %mul3A_251, %add3A_252 : i32
        %dma_start3A_254 = arith.constant 0 : i32
        %dma_start3A_255 = arith.constant 0 : i32
        %dma_start3A_256 = arith.constant 0 : i32
        %dma_start3A_257 = tpu.memref_slice %arg6[%dma_start3A_254, %dma_start3A_255, %dma_start3A_256] : memref<4x128x128xf32, #tpu.memory_space<vmem>> -> memref<1x128x128xf32, #tpu.memory_space<vmem>>
        %dma_start3A_258 = tpu.memref_squeeze %dma_start3A_257 : memref<1x128x128xf32, #tpu.memory_space<vmem>> -> memref<128x128xf32, #tpu.memory_space<vmem>>
        %dma_start3A_259 = tpu.memref_slice %arg5[%add3A_253] : memref<25600xi32, #tpu.memory_space<vmem>> -> memref<128xi32, #tpu.memory_space<vmem>>
        %dma_start3A_260 = arith.constant 0 : i32
        %dma_start3A_261 = arith.constant 0 : i32
        %dma_start3A_262 = tpu.memref_slice %arg3[%dma_start3A_260, %dma_start3A_261] : memref<100000x128xf32, #tpu.memory_space<hbm>> -> memref<100000x128xf32, #tpu.memory_space<hbm>>
        tpu.enqueue_indirect_dma source(%dma_start3A_262 : memref<100000x128xf32, #tpu.memory_space<hbm>>) target(%dma_start3A_258 : memref<128x128xf32, #tpu.memory_space<vmem>>) offsets(%dma_start3A_259 : memref<128xi32, #tpu.memory_space<vmem>>) semaphore(%arg8 : memref<!tpu.dma_semaphore, #tpu.memory_space<semaphore_mem>>)
      } else {
      }
      %scan3A_69 = arith.constant 0 : i32
      %scan3A_70 = arith.constant 0 : i32
      %scan3A_71 = arith.constant 32 : i32
      %scan3A_72 = arith.addi %scan3A_70, %scan3A_71 : i32
      %scan3A_73 = arith.constant 1 : i32
      %scan3A_74:8 = scf.for %scan3A_244 = %scan3A_70 to %scan3A_72 step %scan3A_73 iter_args(%scan3A_245 = %broadcast_in_dim3A_44, %scan3A_246 = %broadcast_in_dim3A_44, %scan3A_247 = %broadcast_in_dim3A_44, %scan3A_248 = %broadcast_in_dim3A_44, %scan3A_249 = %broadcast_in_dim3A_44, %scan3A_250 = %broadcast_in_dim3A_44, %scan3A_251 = %broadcast_in_dim3A_44, %scan3A_252 = %broadcast_in_dim3A_44) -> (vector<16xf32>, vector<16xf32>, vector<16xf32>, vector<16xf32>, vector<16xf32>, vector<16xf32>, vector<16xf32>, vector<16xf32>)  : i32 {
        %mul3A_253 = arith.constant 4 : i32
        %mul3A_254 = arith.muli %mul3A_253, %scan3A_244 : i32
        %add3A_255 = arith.constant 0 : i32
        %add3A_256 = arith.addi %mul3A_254, %add3A_255 : i32
        %get3A = arith.constant 0 : i32
        %get3A_257 = arith.constant 0 : i32
        %get3A_258 = tpu.memref_slice %arg6[%scan3A_69, %get3A, %get3A_257] : memref<4x128x128xf32, #tpu.memory_space<vmem>> -> memref<1x128x128xf32, #tpu.memory_space<vmem>>
        %get3A_259 = tpu.memref_squeeze %get3A_258 : memref<1x128x128xf32, #tpu.memory_space<vmem>> -> memref<128x128xf32, #tpu.memory_space<vmem>>
        %get3A_260 = arith.index_cast %add3A_256 : i32 to index
        %get3A_261 = arith.constant 0 : index
        %get3A_262 = tpu.vector_load %get3A_259[%get3A_260, %get3A_261] {strides = array<i32>} : memref<128x128xf32, #tpu.memory_space<vmem>>, vector<1x16xf32>,
        %get3A_263 = vector.shape_cast %get3A_262 : vector<1x16xf32> to vector<16xf32>
        %add3A_264 = arith.addf %scan3A_245, %get3A_263 : vector<16xf32>
        %mul3A_265 = arith.constant 4 : i32
        %mul3A_266 = arith.muli %mul3A_265, %scan3A_244 : i32
        %add3A_267 = arith.constant 0 : i32
        %add3A_268 = arith.addi %mul3A_266, %add3A_267 : i32
        %get3A_269 = arith.constant 0 : i32
        %get3A_270 = arith.constant 0 : i32
        %get3A_271 = tpu.memref_slice %arg6[%scan3A_69, %get3A_269, %get3A_270] : memref<4x128x128xf32, #tpu.memory_space<vmem>> -> memref<1x128x128xf32, #tpu.memory_space<vmem>>
        %get3A_272 = tpu.memref_squeeze %get3A_271 : memref<1x128x128xf32, #tpu.memory_space<vmem>> -> memref<128x128xf32, #tpu.memory_space<vmem>>
        %get3A_273 = arith.index_cast %add3A_268 : i32 to index
        %get3A_274 = arith.constant 16 : index
        %get3A_275 = tpu.vector_load %get3A_272[%get3A_273, %get3A_274] {strides = array<i32>} : memref<128x128xf32, #tpu.memory_space<vmem>>, vector<1x16xf32>,
        %get3A_276 = vector.shape_cast %get3A_275 : vector<1x16xf32> to vector<16xf32>
        %add3A_277 = arith.addf %scan3A_246, %get3A_276 : vector<16xf32>
        %mul3A_278 = arith.constant 4 : i32
        %mul3A_279 = arith.muli %mul3A_278, %scan3A_244 : i32
        %add3A_280 = arith.constant 0 : i32
        %add3A_281 = arith.addi %mul3A_279, %add3A_280 : i32
        %get3A_282 = arith.constant 0 : i32
        %get3A_283 = arith.constant 0 : i32
        %get3A_284 = tpu.memref_slice %arg6[%scan3A_69, %get3A_282, %get3A_283] : memref<4x128x128xf32, #tpu.memory_space<vmem>> -> memref<1x128x128xf32, #tpu.memory_space<vmem>>
        %get3A_285 = tpu.memref_squeeze %get3A_284 : memref<1x128x128xf32, #tpu.memory_space<vmem>> -> memref<128x128xf32, #tpu.memory_space<vmem>>
        %get3A_286 = arith.index_cast %add3A_281 : i32 to index
        %get3A_287 = arith.constant 32 : index
        %get3A_288 = tpu.vector_load %get3A_285[%get3A_286, %get3A_287] {strides = array<i32>} : memref<128x128xf32, #tpu.memory_space<vmem>>, vector<1x16xf32>,
        %get3A_289 = vector.shape_cast %get3A_288 : vector<1x16xf32> to vector<16xf32>
        %add3A_290 = arith.addf %scan3A_247, %get3A_289 : vector<16xf32>
        %mul3A_291 = arith.constant 4 : i32
        %mul3A_292 = arith.muli %mul3A_291, %scan3A_244 : i32
        %add3A_293 = arith.constant 0 : i32
        %add3A_294 = arith.addi %mul3A_292, %add3A_293 : i32
        %get3A_295 = arith.constant 0 : i32
        %get3A_296 = arith.constant 0 : i32
        %get3A_297 = tpu.memref_slice %arg6[%scan3A_69, %get3A_295, %get3A_296] : memref<4x128x128xf32, #tpu.memory_space<vmem>> -> memref<1x128x128xf32, #tpu.memory_space<vmem>>
        %get3A_298 = tpu.memref_squeeze %get3A_297 : memref<1x128x128xf32, #tpu.memory_space<vmem>> -> memref<128x128xf32, #tpu.memory_space<vmem>>
        %get3A_299 = arith.index_cast %add3A_294 : i32 to index
        %get3A_300 = arith.constant 48 : index
        %get3A_301 = tpu.vector_load %get3A_298[%get3A_299, %get3A_300] {strides = array<i32>} : memref<128x128xf32, #tpu.memory_space<vmem>>, vector<1x16xf32>,
        %get3A_302 = vector.shape_cast %get3A_301 : vector<1x16xf32> to vector<16xf32>
        %add3A_303 = arith.addf %scan3A_248, %get3A_302 : vector<16xf32>
        %mul3A_304 = arith.constant 4 : i32
        %mul3A_305 = arith.muli %mul3A_304, %scan3A_244 : i32
        %add3A_306 = arith.constant 0 : i32
        %add3A_307 = arith.addi %mul3A_305, %add3A_306 : i32
        %get3A_308 = arith.constant 0 : i32
        %get3A_309 = arith.constant 0 : i32
        %get3A_310 = tpu.memref_slice %arg6[%scan3A_69, %get3A_308, %get3A_309] : memref<4x128x128xf32, #tpu.memory_space<vmem>> -> memref<1x128x128xf32, #tpu.memory_space<vmem>>
        %get3A_311 = tpu.memref_squeeze %get3A_310 : memref<1x128x128xf32, #tpu.memory_space<vmem>> -> memref<128x128xf32, #tpu.memory_space<vmem>>
        %get3A_312 = arith.index_cast %add3A_307 : i32 to index
        %get3A_313 = arith.constant 64 : index
        %get3A_314 = tpu.vector_load %get3A_311[%get3A_312, %get3A_313] {strides = array<i32>} : memref<128x128xf32, #tpu.memory_space<vmem>>, vector<1x16xf32>,
        %get3A_315 = vector.shape_cast %get3A_314 : vector<1x16xf32> to vector<16xf32>
        %add3A_316 = arith.addf %scan3A_249, %get3A_315 : vector<16xf32>
        %mul3A_317 = arith.constant 4 : i32
        %mul3A_318 = arith.muli %mul3A_317, %scan3A_244 : i32
        %add3A_319 = arith.constant 0 : i32
        %add3A_320 = arith.addi %mul3A_318, %add3A_319 : i32
        %get3A_321 = arith.constant 0 : i32
        %get3A_322 = arith.constant 0 : i32
        %get3A_323 = tpu.memref_slice %arg6[%scan3A_69, %get3A_321, %get3A_322] : memref<4x128x128xf32, #tpu.memory_space<vmem>> -> memref<1x128x128xf32, #tpu.memory_space<vmem>>
        %get3A_324 = tpu.memref_squeeze %get3A_323 : memref<1x128x128xf32, #tpu.memory_space<vmem>> -> memref<128x128xf32, #tpu.memory_space<vmem>>
        %get3A_325 = arith.index_cast %add3A_320 : i32 to index
        %get3A_326 = arith.constant 80 : index
        %get3A_327 = tpu.vector_load %get3A_324[%get3A_325, %get3A_326] {strides = array<i32>} : memref<128x128xf32, #tpu.memory_space<vmem>>, vector<1x16xf32>,
        %get3A_328 = vector.shape_cast %get3A_327 : vector<1x16xf32> to vector<16xf32>
        %add3A_329 = arith.addf %scan3A_250, %get3A_328 : vector<16xf32>
        %mul3A_330 = arith.constant 4 : i32
        %mul3A_331 = arith.muli %mul3A_330, %scan3A_244 : i32
        %add3A_332 = arith.constant 0 : i32
        %add3A_333 = arith.addi %mul3A_331, %add3A_332 : i32
        %get3A_334 = arith.constant 0 : i32
        %get3A_335 = arith.constant 0 : i32
        %get3A_336 = tpu.memref_slice %arg6[%scan3A_69, %get3A_334, %get3A_335] : memref<4x128x128xf32, #tpu.memory_space<vmem>> -> memref<1x128x128xf32, #tpu.memory_space<vmem>>
        %get3A_337 = tpu.memref_squeeze %get3A_336 : memref<1x128x128xf32, #tpu.memory_space<vmem>> -> memref<128x128xf32, #tpu.memory_space<vmem>>
        %get3A_338 = arith.index_cast %add3A_333 : i32 to index
        %get3A_339 = arith.constant 96 : index
        %get3A_340 = tpu.vector_load %get3A_337[%get3A_338, %get3A_339] {strides = array<i32>} : memref<128x128xf32, #tpu.memory_space<vmem>>, vector<1x16xf32>,
        %get3A_341 = vector.shape_cast %get3A_340 : vector<1x16xf32> to vector<16xf32>
        %add3A_342 = arith.addf %scan3A_251, %get3A_341 : vector<16xf32>
        %mul3A_343 = arith.constant 4 : i32
        %mul3A_344 = arith.muli %mul3A_343, %scan3A_244 : i32
        %add3A_345 = arith.constant 0 : i32
        %add3A_346 = arith.addi %mul3A_344, %add3A_345 : i32
        %get3A_347 = arith.constant 0 : i32
        %get3A_348 = arith.constant 0 : i32
        %get3A_349 = tpu.memref_slice %arg6[%scan3A_69, %get3A_347, %get3A_348] : memref<4x128x128xf32, #tpu.memory_space<vmem>> -> memref<1x128x128xf32, #tpu.memory_space<vmem>>
        %get3A_350 = tpu.memref_squeeze %get3A_349 : memref<1x128x128xf32, #tpu.memory_space<vmem>> -> memref<128x128xf32, #tpu.memory_space<vmem>>
        %get3A_351 = arith.index_cast %add3A_346 : i32 to index
        %get3A_352 = arith.constant 112 : index
        %get3A_353 = tpu.vector_load %get3A_350[%get3A_351, %get3A_352] {strides = array<i32>} : memref<128x128xf32, #tpu.memory_space<vmem>>, vector<1x16xf32>,
        %get3A_354 = vector.shape_cast %get3A_353 : vector<1x16xf32> to vector<16xf32>
        %add3A_355 = arith.addf %scan3A_252, %get3A_354 : vector<16xf32>
        %mul3A_356 = arith.constant 4 : i32
        %mul3A_357 = arith.muli %mul3A_356, %scan3A_244 : i32
        %add3A_358 = arith.constant 1 : i32
        %add3A_359 = arith.addi %mul3A_357, %add3A_358 : i32
        %get3A_360 = arith.constant 0 : i32
        %get3A_361 = arith.constant 0 : i32
        %get3A_362 = tpu.memref_slice %arg6[%scan3A_69, %get3A_360, %get3A_361] : memref<4x128x128xf32, #tpu.memory_space<vmem>> -> memref<1x128x128xf32, #tpu.memory_space<vmem>>
        %get3A_363 = tpu.memref_squeeze %get3A_362 : memref<1x128x128xf32, #tpu.memory_space<vmem>> -> memref<128x128xf32, #tpu.memory_space<vmem>>
        %get3A_364 = arith.index_cast %add3A_359 : i32 to index
        %get3A_365 = arith.constant 0 : index
        %get3A_366 = tpu.vector_load %get3A_363[%get3A_364, %get3A_365] {strides = array<i32>} : memref<128x128xf32, #tpu.memory_space<vmem>>, vector<1x16xf32>,
        %get3A_367 = vector.shape_cast %get3A_366 : vector<1x16xf32> to vector<16xf32>
        %add3A_368 = arith.addf %add3A_264, %get3A_367 : vector<16xf32>
        %mul3A_369 = arith.constant 4 : i32
        %mul3A_370 = arith.muli %mul3A_369, %scan3A_244 : i32
        %add3A_371 = arith.constant 1 : i32
        %add3A_372 = arith.addi %mul3A_370, %add3A_371 : i32
        %get3A_373 = arith.constant 0 : i32
        %get3A_374 = arith.constant 0 : i32
        %get3A_375 = tpu.memref_slice %arg6[%scan3A_69, %get3A_373, %get3A_374] : memref<4x128x128xf32, #tpu.memory_space<vmem>> -> memref<1x128x128xf32, #tpu.memory_space<vmem>>
        %get3A_376 = tpu.memref_squeeze %get3A_375 : memref<1x128x128xf32, #tpu.memory_space<vmem>> -> memref<128x128xf32, #tpu.memory_space<vmem>>
        %get3A_377 = arith.index_cast %add3A_372 : i32 to index
        %get3A_378 = arith.constant 16 : index
        %get3A_379 = tpu.vector_load %get3A_376[%get3A_377, %get3A_378] {strides = array<i32>} : memref<128x128xf32, #tpu.memory_space<vmem>>, vector<1x16xf32>,
        %get3A_380 = vector.shape_cast %get3A_379 : vector<1x16xf32> to vector<16xf32>
        %add3A_381 = arith.addf %add3A_277, %get3A_380 : vector<16xf32>
        %mul3A_382 = arith.constant 4 : i32
        %mul3A_383 = arith.muli %mul3A_382, %scan3A_244 : i32
        %add3A_384 = arith.constant 1 : i32
        %add3A_385 = arith.addi %mul3A_383, %add3A_384 : i32
        %get3A_386 = arith.constant 0 : i32
        %get3A_387 = arith.constant 0 : i32
        %get3A_388 = tpu.memref_slice %arg6[%scan3A_69, %get3A_386, %get3A_387] : memref<4x128x128xf32, #tpu.memory_space<vmem>> -> memref<1x128x128xf32, #tpu.memory_space<vmem>>
        %get3A_389 = tpu.memref_squeeze %get3A_388 : memref<1x128x128xf32, #tpu.memory_space<vmem>> -> memref<128x128xf32, #tpu.memory_space<vmem>>
        %get3A_390 = arith.index_cast %add3A_385 : i32 to index
        %get3A_391 = arith.constant 32 : index
        %get3A_392 = tpu.vector_load %get3A_389[%get3A_390, %get3A_391] {strides = array<i32>} : memref<128x128xf32, #tpu.memory_space<vmem>>, vector<1x16xf32>,
        %get3A_393 = vector.shape_cast %get3A_392 : vector<1x16xf32> to vector<16xf32>
        %add3A_394 = arith.addf %add3A_290, %get3A_393 : vector<16xf32>
        %mul3A_395 = arith.constant 4 : i32
        %mul3A_396 = arith.muli %mul3A_395, %scan3A_244 : i32
        %add3A_397 = arith.constant 1 : i32
        %add3A_398 = arith.addi %mul3A_396, %add3A_397 : i32
        %get3A_399 = arith.constant 0 : i32
        %get3A_400 = arith.constant 0 : i32
        %get3A_401 = tpu.memref_slice %arg6[%scan3A_69, %get3A_399, %get3A_400] : memref<4x128x128xf32, #tpu.memory_space<vmem>> -> memref<1x128x128xf32, #tpu.memory_space<vmem>>
        %get3A_402 = tpu.memref_squeeze %get3A_401 : memref<1x128x128xf32, #tpu.memory_space<vmem>> -> memref<128x128xf32, #tpu.memory_space<vmem>>
        %get3A_403 = arith.index_cast %add3A_398 : i32 to index
        %get3A_404 = arith.constant 48 : index
        %get3A_405 = tpu.vector_load %get3A_402[%get3A_403, %get3A_404] {strides = array<i32>} : memref<128x128xf32, #tpu.memory_space<vmem>>, vector<1x16xf32>,
        %get3A_406 = vector.shape_cast %get3A_405 : vector<1x16xf32> to vector<16xf32>
        %add3A_407 = arith.addf %add3A_303, %get3A_406 : vector<16xf32>
        %mul3A_408 = arith.constant 4 : i32
        %mul3A_409 = arith.muli %mul3A_408, %scan3A_244 : i32
        %add3A_410 = arith.constant 1 : i32
        %add3A_411 = arith.addi %mul3A_409, %add3A_410 : i32
        %get3A_412 = arith.constant 0 : i32
        %get3A_413 = arith.constant 0 : i32
        %get3A_414 = tpu.memref_slice %arg6[%scan3A_69, %get3A_412, %get3A_413] : memref<4x128x128xf32, #tpu.memory_space<vmem>> -> memref<1x128x128xf32, #tpu.memory_space<vmem>>
        %get3A_415 = tpu.memref_squeeze %get3A_414 : memref<1x128x128xf32, #tpu.memory_space<vmem>> -> memref<128x128xf32, #tpu.memory_space<vmem>>
        %get3A_416 = arith.index_cast %add3A_411 : i32 to index
        %get3A_417 = arith.constant 64 : index
        %get3A_418 = tpu.vector_load %get3A_415[%get3A_416, %get3A_417] {strides = array<i32>} : memref<128x128xf32, #tpu.memory_space<vmem>>, vector<1x16xf32>,
        %get3A_419 = vector.shape_cast %get3A_418 : vector<1x16xf32> to vector<16xf32>
        %add3A_420 = arith.addf %add3A_316, %get3A_419 : vector<16xf32>
        %mul3A_421 = arith.constant 4 : i32
        %mul3A_422 = arith.muli %mul3A_421, %scan3A_244 : i32
        %add3A_423 = arith.constant 1 : i32
        %add3A_424 = arith.addi %mul3A_422, %add3A_423 : i32
        %get3A_425 = arith.constant 0 : i32
        %get3A_426 = arith.constant 0 : i32
        %get3A_427 = tpu.memref_slice %arg6[%scan3A_69, %get3A_425, %get3A_426] : memref<4x128x128xf32, #tpu.memory_space<vmem>> -> memref<1x128x128xf32, #tpu.memory_space<vmem>>
        %get3A_428 = tpu.memref_squeeze %get3A_427 : memref<1x128x128xf32, #tpu.memory_space<vmem>> -> memref<128x128xf32, #tpu.memory_space<vmem>>
        %get3A_429 = arith.index_cast %add3A_424 : i32 to index
        %get3A_430 = arith.constant 80 : index
        %get3A_431 = tpu.vector_load %get3A_428[%get3A_429, %get3A_430] {strides = array<i32>} : memref<128x128xf32, #tpu.memory_space<vmem>>, vector<1x16xf32>,
        %get3A_432 = vector.shape_cast %get3A_431 : vector<1x16xf32> to vector<16xf32>
        %add3A_433 = arith.addf %add3A_329, %get3A_432 : vector<16xf32>
        %mul3A_434 = arith.constant 4 : i32
        %mul3A_435 = arith.muli %mul3A_434, %scan3A_244 : i32
        %add3A_436 = arith.constant 1 : i32
        %add3A_437 = arith.addi %mul3A_435, %add3A_436 : i32
        %get3A_438 = arith.constant 0 : i32
        %get3A_439 = arith.constant 0 : i32
        %get3A_440 = tpu.memref_slice %arg6[%scan3A_69, %get3A_438, %get3A_439] : memref<4x128x128xf32, #tpu.memory_space<vmem>> -> memref<1x128x128xf32, #tpu.memory_space<vmem>>
        %get3A_441 = tpu.memref_squeeze %get3A_440 : memref<1x128x128xf32, #tpu.memory_space<vmem>> -> memref<128x128xf32, #tpu.memory_space<vmem>>
        %get3A_442 = arith.index_cast %add3A_437 : i32 to index
        %get3A_443 = arith.constant 96 : index
        %get3A_444 = tpu.vector_load %get3A_441[%get3A_442, %get3A_443] {strides = array<i32>} : memref<128x128xf32, #tpu.memory_space<vmem>>, vector<1x16xf32>,
        %get3A_445 = vector.shape_cast %get3A_444 : vector<1x16xf32> to vector<16xf32>
        %add3A_446 = arith.addf %add3A_342, %get3A_445 : vector<16xf32>
        %mul3A_447 = arith.constant 4 : i32
        %mul3A_448 = arith.muli %mul3A_447, %scan3A_244 : i32
        %add3A_449 = arith.constant 1 : i32
        %add3A_450 = arith.addi %mul3A_448, %add3A_449 : i32
        %get3A_451 = arith.constant 0 : i32
        %get3A_452 = arith.constant 0 : i32
        %get3A_453 = tpu.memref_slice %arg6[%scan3A_69, %get3A_451, %get3A_452] : memref<4x128x128xf32, #tpu.memory_space<vmem>> -> memref<1x128x128xf32, #tpu.memory_space<vmem>>
        %get3A_454 = tpu.memref_squeeze %get3A_453 : memref<1x128x128xf32, #tpu.memory_space<vmem>> -> memref<128x128xf32, #tpu.memory_space<vmem>>
        %get3A_455 = arith.index_cast %add3A_450 : i32 to index
        %get3A_456 = arith.constant 112 : index
        %get3A_457 = tpu.vector_load %get3A_454[%get3A_455, %get3A_456] {strides = array<i32>} : memref<128x128xf32, #tpu.memory_space<vmem>>, vector<1x16xf32>,
        %get3A_458 = vector.shape_cast %get3A_457 : vector<1x16xf32> to vector<16xf32>
        %add3A_459 = arith.addf %add3A_355, %get3A_458 : vector<16xf32>
        %mul3A_460 = arith.constant 4 : i32
        %mul3A_461 = arith.muli %mul3A_460, %scan3A_244 : i32
        %add3A_462 = arith.constant 2 : i32
        %add3A_463 = arith.addi %mul3A_461, %add3A_462 : i32
        %get3A_464 = arith.constant 0 : i32
        %get3A_465 = arith.constant 0 : i32
        %get3A_466 = tpu.memref_slice %arg6[%scan3A_69, %get3A_464, %get3A_465] : memref<4x128x128xf32, #tpu.memory_space<vmem>> -> memref<1x128x128xf32, #tpu.memory_space<vmem>>
        %get3A_467 = tpu.memref_squeeze %get3A_466 : memref<1x128x128xf32, #tpu.memory_space<vmem>> -> memref<128x128xf32, #tpu.memory_space<vmem>>
        %get3A_468 = arith.index_cast %add3A_463 : i32 to index
        %get3A_469 = arith.constant 0 : index
        %get3A_470 = tpu.vector_load %get3A_467[%get3A_468, %get3A_469] {strides = array<i32>} : memref<128x128xf32, #tpu.memory_space<vmem>>, vector<1x16xf32>,
        %get3A_471 = vector.shape_cast %get3A_470 : vector<1x16xf32> to vector<16xf32>
        %add3A_472 = arith.addf %add3A_368, %get3A_471 : vector<16xf32>
        %mul3A_473 = arith.constant 4 : i32
        %mul3A_474 = arith.muli %mul3A_473, %scan3A_244 : i32
        %add3A_475 = arith.constant 2 : i32
        %add3A_476 = arith.addi %mul3A_474, %add3A_475 : i32
        %get3A_477 = arith.constant 0 : i32
        %get3A_478 = arith.constant 0 : i32
        %get3A_479 = tpu.memref_slice %arg6[%scan3A_69, %get3A_477, %get3A_478] : memref<4x128x128xf32, #tpu.memory_space<vmem>> -> memref<1x128x128xf32, #tpu.memory_space<vmem>>
        %get3A_480 = tpu.memref_squeeze %get3A_479 : memref<1x128x128xf32, #tpu.memory_space<vmem>> -> memref<128x128xf32, #tpu.memory_space<vmem>>
        %get3A_481 = arith.index_cast %add3A_476 : i32 to index
        %get3A_482 = arith.constant 16 : index
        %get3A_483 = tpu.vector_load %get3A_480[%get3A_481, %get3A_482] {strides = array<i32>} : memref<128x128xf32, #tpu.memory_space<vmem>>, vector<1x16xf32>,
        %get3A_484 = vector.shape_cast %get3A_483 : vector<1x16xf32> to vector<16xf32>
        %add3A_485 = arith.addf %add3A_381, %get3A_484 : vector<16xf32>
        %mul3A_486 = arith.constant 4 : i32
        %mul3A_487 = arith.muli %mul3A_486, %scan3A_244 : i32
        %add3A_488 = arith.constant 2 : i32
        %add3A_489 = arith.addi %mul3A_487, %add3A_488 : i32
        %get3A_490 = arith.constant 0 : i32
        %get3A_491 = arith.constant 0 : i32
        %get3A_492 = tpu.memref_slice %arg6[%scan3A_69, %get3A_490, %get3A_491] : memref<4x128x128xf32, #tpu.memory_space<vmem>> -> memref<1x128x128xf32, #tpu.memory_space<vmem>>
        %get3A_493 = tpu.memref_squeeze %get3A_492 : memref<1x128x128xf32, #tpu.memory_space<vmem>> -> memref<128x128xf32, #tpu.memory_space<vmem>>
        %get3A_494 = arith.index_cast %add3A_489 : i32 to index
        %get3A_495 = arith.constant 32 : index
        %get3A_496 = tpu.vector_load %get3A_493[%get3A_494, %get3A_495] {strides = array<i32>} : memref<128x128xf32, #tpu.memory_space<vmem>>, vector<1x16xf32>,
        %get3A_497 = vector.shape_cast %get3A_496 : vector<1x16xf32> to vector<16xf32>
        %add3A_498 = arith.addf %add3A_394, %get3A_497 : vector<16xf32>
        %mul3A_499 = arith.constant 4 : i32
        %mul3A_500 = arith.muli %mul3A_499, %scan3A_244 : i32
        %add3A_501 = arith.constant 2 : i32
        %add3A_502 = arith.addi %mul3A_500, %add3A_501 : i32
        %get3A_503 = arith.constant 0 : i32
        %get3A_504 = arith.constant 0 : i32
        %get3A_505 = tpu.memref_slice %arg6[%scan3A_69, %get3A_503, %get3A_504] : memref<4x128x128xf32, #tpu.memory_space<vmem>> -> memref<1x128x128xf32, #tpu.memory_space<vmem>>
        %get3A_506 = tpu.memref_squeeze %get3A_505 : memref<1x128x128xf32, #tpu.memory_space<vmem>> -> memref<128x128xf32, #tpu.memory_space<vmem>>
        %get3A_507 = arith.index_cast %add3A_502 : i32 to index
        %get3A_508 = arith.constant 48 : index
        %get3A_509 = tpu.vector_load %get3A_506[%get3A_507, %get3A_508] {strides = array<i32>} : memref<128x128xf32, #tpu.memory_space<vmem>>, vector<1x16xf32>,
        %get3A_510 = vector.shape_cast %get3A_509 : vector<1x16xf32> to vector<16xf32>
        %add3A_511 = arith.addf %add3A_407, %get3A_510 : vector<16xf32>
        %mul3A_512 = arith.constant 4 : i32
        %mul3A_513 = arith.muli %mul3A_512, %scan3A_244 : i32
        %add3A_514 = arith.constant 2 : i32
        %add3A_515 = arith.addi %mul3A_513, %add3A_514 : i32
        %get3A_516 = arith.constant 0 : i32
        %get3A_517 = arith.constant 0 : i32
        %get3A_518 = tpu.memref_slice %arg6[%scan3A_69, %get3A_516, %get3A_517] : memref<4x128x128xf32, #tpu.memory_space<vmem>> -> memref<1x128x128xf32, #tpu.memory_space<vmem>>
        %get3A_519 = tpu.memref_squeeze %get3A_518 : memref<1x128x128xf32, #tpu.memory_space<vmem>> -> memref<128x128xf32, #tpu.memory_space<vmem>>
        %get3A_520 = arith.index_cast %add3A_515 : i32 to index
        %get3A_521 = arith.constant 64 : index
        %get3A_522 = tpu.vector_load %get3A_519[%get3A_520, %get3A_521] {strides = array<i32>} : memref<128x128xf32, #tpu.memory_space<vmem>>, vector<1x16xf32>,
        %get3A_523 = vector.shape_cast %get3A_522 : vector<1x16xf32> to vector<16xf32>
        %add3A_524 = arith.addf %add3A_420, %get3A_523 : vector<16xf32>
        %mul3A_525 = arith.constant 4 : i32
        %mul3A_526 = arith.muli %mul3A_525, %scan3A_244 : i32
        %add3A_527 = arith.constant 2 : i32
        %add3A_528 = arith.addi %mul3A_526, %add3A_527 : i32
        %get3A_529 = arith.constant 0 : i32
        %get3A_530 = arith.constant 0 : i32
        %get3A_531 = tpu.memref_slice %arg6[%scan3A_69, %get3A_529, %get3A_530] : memref<4x128x128xf32, #tpu.memory_space<vmem>> -> memref<1x128x128xf32, #tpu.memory_space<vmem>>
        %get3A_532 = tpu.memref_squeeze %get3A_531 : memref<1x128x128xf32, #tpu.memory_space<vmem>> -> memref<128x128xf32, #tpu.memory_space<vmem>>
        %get3A_533 = arith.index_cast %add3A_528 : i32 to index
        %get3A_534 = arith.constant 80 : index
        %get3A_535 = tpu.vector_load %get3A_532[%get3A_533, %get3A_534] {strides = array<i32>} : memref<128x128xf32, #tpu.memory_space<vmem>>, vector<1x16xf32>,
        %get3A_536 = vector.shape_cast %get3A_535 : vector<1x16xf32> to vector<16xf32>
        %add3A_537 = arith.addf %add3A_433, %get3A_536 : vector<16xf32>
        %mul3A_538 = arith.constant 4 : i32
        %mul3A_539 = arith.muli %mul3A_538, %scan3A_244 : i32
        %add3A_540 = arith.constant 2 : i32
        %add3A_541 = arith.addi %mul3A_539, %add3A_540 : i32
        %get3A_542 = arith.constant 0 : i32
        %get3A_543 = arith.constant 0 : i32
        %get3A_544 = tpu.memref_slice %arg6[%scan3A_69, %get3A_542, %get3A_543] : memref<4x128x128xf32, #tpu.memory_space<vmem>> -> memref<1x128x128xf32, #tpu.memory_space<vmem>>
        %get3A_545 = tpu.memref_squeeze %get3A_544 : memref<1x128x128xf32, #tpu.memory_space<vmem>> -> memref<128x128xf32, #tpu.memory_space<vmem>>
        %get3A_546 = arith.index_cast %add3A_541 : i32 to index
        %get3A_547 = arith.constant 96 : index
        %get3A_548 = tpu.vector_load %get3A_545[%get3A_546, %get3A_547] {strides = array<i32>} : memref<128x128xf32, #tpu.memory_space<vmem>>, vector<1x16xf32>,
        %get3A_549 = vector.shape_cast %get3A_548 : vector<1x16xf32> to vector<16xf32>
        %add3A_550 = arith.addf %add3A_446, %get3A_549 : vector<16xf32>
        %mul3A_551 = arith.constant 4 : i32
        %mul3A_552 = arith.muli %mul3A_551, %scan3A_244 : i32
        %add3A_553 = arith.constant 2 : i32
        %add3A_554 = arith.addi %mul3A_552, %add3A_553 : i32
        %get3A_555 = arith.constant 0 : i32
        %get3A_556 = arith.constant 0 : i32
        %get3A_557 = tpu.memref_slice %arg6[%scan3A_69, %get3A_555, %get3A_556] : memref<4x128x128xf32, #tpu.memory_space<vmem>> -> memref<1x128x128xf32, #tpu.memory_space<vmem>>
        %get3A_558 = tpu.memref_squeeze %get3A_557 : memref<1x128x128xf32, #tpu.memory_space<vmem>> -> memref<128x128xf32, #tpu.memory_space<vmem>>
        %get3A_559 = arith.index_cast %add3A_554 : i32 to index
        %get3A_560 = arith.constant 112 : index
        %get3A_561 = tpu.vector_load %get3A_558[%get3A_559, %get3A_560] {strides = array<i32>} : memref<128x128xf32, #tpu.memory_space<vmem>>, vector<1x16xf32>,
        %get3A_562 = vector.shape_cast %get3A_561 : vector<1x16xf32> to vector<16xf32>
        %add3A_563 = arith.addf %add3A_459, %get3A_562 : vector<16xf32>
        %mul3A_564 = arith.constant 4 : i32
        %mul3A_565 = arith.muli %mul3A_564, %scan3A_244 : i32
        %add3A_566 = arith.constant 3 : i32
        %add3A_567 = arith.addi %mul3A_565, %add3A_566 : i32
        %get3A_568 = arith.constant 0 : i32
        %get3A_569 = arith.constant 0 : i32
        %get3A_570 = tpu.memref_slice %arg6[%scan3A_69, %get3A_568, %get3A_569] : memref<4x128x128xf32, #tpu.memory_space<vmem>> -> memref<1x128x128xf32, #tpu.memory_space<vmem>>
        %get3A_571 = tpu.memref_squeeze %get3A_570 : memref<1x128x128xf32, #tpu.memory_space<vmem>> -> memref<128x128xf32, #tpu.memory_space<vmem>>
        %get3A_572 = arith.index_cast %add3A_567 : i32 to index
        %get3A_573 = arith.constant 0 : index
        %get3A_574 = tpu.vector_load %get3A_571[%get3A_572, %get3A_573] {strides = array<i32>} : memref<128x128xf32, #tpu.memory_space<vmem>>, vector<1x16xf32>,
        %get3A_575 = vector.shape_cast %get3A_574 : vector<1x16xf32> to vector<16xf32>
        %add3A_576 = arith.addf %add3A_472, %get3A_575 : vector<16xf32>
        %mul3A_577 = arith.constant 4 : i32
        %mul3A_578 = arith.muli %mul3A_577, %scan3A_244 : i32
        %add3A_579 = arith.constant 3 : i32
        %add3A_580 = arith.addi %mul3A_578, %add3A_579 : i32
        %get3A_581 = arith.constant 0 : i32
        %get3A_582 = arith.constant 0 : i32
        %get3A_583 = tpu.memref_slice %arg6[%scan3A_69, %get3A_581, %get3A_582] : memref<4x128x128xf32, #tpu.memory_space<vmem>> -> memref<1x128x128xf32, #tpu.memory_space<vmem>>
        %get3A_584 = tpu.memref_squeeze %get3A_583 : memref<1x128x128xf32, #tpu.memory_space<vmem>> -> memref<128x128xf32, #tpu.memory_space<vmem>>
        %get3A_585 = arith.index_cast %add3A_580 : i32 to index
        %get3A_586 = arith.constant 16 : index
        %get3A_587 = tpu.vector_load %get3A_584[%get3A_585, %get3A_586] {strides = array<i32>} : memref<128x128xf32, #tpu.memory_space<vmem>>, vector<1x16xf32>,
        %get3A_588 = vector.shape_cast %get3A_587 : vector<1x16xf32> to vector<16xf32>
        %add3A_589 = arith.addf %add3A_485, %get3A_588 : vector<16xf32>
        %mul3A_590 = arith.constant 4 : i32
        %mul3A_591 = arith.muli %mul3A_590, %scan3A_244 : i32
        %add3A_592 = arith.constant 3 : i32
        %add3A_593 = arith.addi %mul3A_591, %add3A_592 : i32
        %get3A_594 = arith.constant 0 : i32
        %get3A_595 = arith.constant 0 : i32
        %get3A_596 = tpu.memref_slice %arg6[%scan3A_69, %get3A_594, %get3A_595] : memref<4x128x128xf32, #tpu.memory_space<vmem>> -> memref<1x128x128xf32, #tpu.memory_space<vmem>>
        %get3A_597 = tpu.memref_squeeze %get3A_596 : memref<1x128x128xf32, #tpu.memory_space<vmem>> -> memref<128x128xf32, #tpu.memory_space<vmem>>
        %get3A_598 = arith.index_cast %add3A_593 : i32 to index
        %get3A_599 = arith.constant 32 : index
        %get3A_600 = tpu.vector_load %get3A_597[%get3A_598, %get3A_599] {strides = array<i32>} : memref<128x128xf32, #tpu.memory_space<vmem>>, vector<1x16xf32>,
        %get3A_601 = vector.shape_cast %get3A_600 : vector<1x16xf32> to vector<16xf32>
        %add3A_602 = arith.addf %add3A_498, %get3A_601 : vector<16xf32>
        %mul3A_603 = arith.constant 4 : i32
        %mul3A_604 = arith.muli %mul3A_603, %scan3A_244 : i32
        %add3A_605 = arith.constant 3 : i32
        %add3A_606 = arith.addi %mul3A_604, %add3A_605 : i32
        %get3A_607 = arith.constant 0 : i32
        %get3A_608 = arith.constant 0 : i32
        %get3A_609 = tpu.memref_slice %arg6[%scan3A_69, %get3A_607, %get3A_608] : memref<4x128x128xf32, #tpu.memory_space<vmem>> -> memref<1x128x128xf32, #tpu.memory_space<vmem>>
        %get3A_610 = tpu.memref_squeeze %get3A_609 : memref<1x128x128xf32, #tpu.memory_space<vmem>> -> memref<128x128xf32, #tpu.memory_space<vmem>>
        %get3A_611 = arith.index_cast %add3A_606 : i32 to index
        %get3A_612 = arith.constant 48 : index
        %get3A_613 = tpu.vector_load %get3A_610[%get3A_611, %get3A_612] {strides = array<i32>} : memref<128x128xf32, #tpu.memory_space<vmem>>, vector<1x16xf32>,
        %get3A_614 = vector.shape_cast %get3A_613 : vector<1x16xf32> to vector<16xf32>
        %add3A_615 = arith.addf %add3A_511, %get3A_614 : vector<16xf32>
        %mul3A_616 = arith.constant 4 : i32
        %mul3A_617 = arith.muli %mul3A_616, %scan3A_244 : i32
        %add3A_618 = arith.constant 3 : i32
        %add3A_619 = arith.addi %mul3A_617, %add3A_618 : i32
        %get3A_620 = arith.constant 0 : i32
        %get3A_621 = arith.constant 0 : i32
        %get3A_622 = tpu.memref_slice %arg6[%scan3A_69, %get3A_620, %get3A_621] : memref<4x128x128xf32, #tpu.memory_space<vmem>> -> memref<1x128x128xf32, #tpu.memory_space<vmem>>
        %get3A_623 = tpu.memref_squeeze %get3A_622 : memref<1x128x128xf32, #tpu.memory_space<vmem>> -> memref<128x128xf32, #tpu.memory_space<vmem>>
        %get3A_624 = arith.index_cast %add3A_619 : i32 to index
        %get3A_625 = arith.constant 64 : index
        %get3A_626 = tpu.vector_load %get3A_623[%get3A_624, %get3A_625] {strides = array<i32>} : memref<128x128xf32, #tpu.memory_space<vmem>>, vector<1x16xf32>,
        %get3A_627 = vector.shape_cast %get3A_626 : vector<1x16xf32> to vector<16xf32>
        %add3A_628 = arith.addf %add3A_524, %get3A_627 : vector<16xf32>
        %mul3A_629 = arith.constant 4 : i32
        %mul3A_630 = arith.muli %mul3A_629, %scan3A_244 : i32
        %add3A_631 = arith.constant 3 : i32
        %add3A_632 = arith.addi %mul3A_630, %add3A_631 : i32
        %get3A_633 = arith.constant 0 : i32
        %get3A_634 = arith.constant 0 : i32
        %get3A_635 = tpu.memref_slice %arg6[%scan3A_69, %get3A_633, %get3A_634] : memref<4x128x128xf32, #tpu.memory_space<vmem>> -> memref<1x128x128xf32, #tpu.memory_space<vmem>>
        %get3A_636 = tpu.memref_squeeze %get3A_635 : memref<1x128x128xf32, #tpu.memory_space<vmem>> -> memref<128x128xf32, #tpu.memory_space<vmem>>
        %get3A_637 = arith.index_cast %add3A_632 : i32 to index
        %get3A_638 = arith.constant 80 : index
        %get3A_639 = tpu.vector_load %get3A_636[%get3A_637, %get3A_638] {strides = array<i32>} : memref<128x128xf32, #tpu.memory_space<vmem>>, vector<1x16xf32>,
        %get3A_640 = vector.shape_cast %get3A_639 : vector<1x16xf32> to vector<16xf32>
        %add3A_641 = arith.addf %add3A_537, %get3A_640 : vector<16xf32>
        %mul3A_642 = arith.constant 4 : i32
        %mul3A_643 = arith.muli %mul3A_642, %scan3A_244 : i32
        %add3A_644 = arith.constant 3 : i32
        %add3A_645 = arith.addi %mul3A_643, %add3A_644 : i32
        %get3A_646 = arith.constant 0 : i32
        %get3A_647 = arith.constant 0 : i32
        %get3A_648 = tpu.memref_slice %arg6[%scan3A_69, %get3A_646, %get3A_647] : memref<4x128x128xf32, #tpu.memory_space<vmem>> -> memref<1x128x128xf32, #tpu.memory_space<vmem>>
        %get3A_649 = tpu.memref_squeeze %get3A_648 : memref<1x128x128xf32, #tpu.memory_space<vmem>> -> memref<128x128xf32, #tpu.memory_space<vmem>>
        %get3A_650 = arith.index_cast %add3A_645 : i32 to index
        %get3A_651 = arith.constant 96 : index
        %get3A_652 = tpu.vector_load %get3A_649[%get3A_650, %get3A_651] {strides = array<i32>} : memref<128x128xf32, #tpu.memory_space<vmem>>, vector<1x16xf32>,
        %get3A_653 = vector.shape_cast %get3A_652 : vector<1x16xf32> to vector<16xf32>
        %add3A_654 = arith.addf %add3A_550, %get3A_653 : vector<16xf32>
        %mul3A_655 = arith.constant 4 : i32
        %mul3A_656 = arith.muli %mul3A_655, %scan3A_244 : i32
        %add3A_657 = arith.constant 3 : i32
        %add3A_658 = arith.addi %mul3A_656, %add3A_657 : i32
        %get3A_659 = arith.constant 0 : i32
        %get3A_660 = arith.constant 0 : i32
        %get3A_661 = tpu.memref_slice %arg6[%scan3A_69, %get3A_659, %get3A_660] : memref<4x128x128xf32, #tpu.memory_space<vmem>> -> memref<1x128x128xf32, #tpu.memory_space<vmem>>
        %get3A_662 = tpu.memref_squeeze %get3A_661 : memref<1x128x128xf32, #tpu.memory_space<vmem>> -> memref<128x128xf32, #tpu.memory_space<vmem>>
        %get3A_663 = arith.index_cast %add3A_658 : i32 to index
        %get3A_664 = arith.constant 112 : index
        %get3A_665 = tpu.vector_load %get3A_662[%get3A_663, %get3A_664] {strides = array<i32>} : memref<128x128xf32, #tpu.memory_space<vmem>>, vector<1x16xf32>,
        %get3A_666 = vector.shape_cast %get3A_665 : vector<1x16xf32> to vector<16xf32>
        %add3A_667 = arith.addf %add3A_563, %get3A_666 : vector<16xf32>
        scf.yield %add3A_576, %add3A_589, %add3A_602, %add3A_615, %add3A_628, %add3A_641, %add3A_654, %add3A_667 : vector<16xf32>, vector<16xf32>, vector<16xf32>, vector<16xf32>, vector<16xf32>, vector<16xf32>, vector<16xf32>, vector<16xf32>
      }
      %scan3A_75 = arith.constant 32 : i32
      %dma_wait3A_76 = arith.constant 1 : i32
      %dma_wait3A_77 = arith.constant 0 : i32
      %dma_wait3A_78 = arith.constant 0 : i32
      %dma_wait3A_79 = tpu.memref_slice %arg6[%dma_wait3A_76, %dma_wait3A_77, %dma_wait3A_78] : memref<4x128x128xf32, #tpu.memory_space<vmem>> -> memref<1x72x128xf32, #tpu.memory_space<vmem>>
      %dma_wait3A_80 = tpu.memref_squeeze %dma_wait3A_79 : memref<1x72x128xf32, #tpu.memory_space<vmem>> -> memref<72x128xf32, #tpu.memory_space<vmem>>
      %dma_wait3A_81 = arith.constant 0 : i32
      %dma_wait3A_82 = arith.constant 0 : i32
      %dma_wait3A_83 = tpu.memref_slice %arg3[%dma_wait3A_81, %dma_wait3A_82] : memref<100000x128xf32, #tpu.memory_space<hbm>> -> memref<72x128xf32, #tpu.memory_space<hbm>>
      %dma_wait3A_84 = arith.constant 0 : i32
      %dma_wait3A_85 = arith.constant 0 : i32
      %dma_wait3A_86 = tpu.memref_slice %arg6[%dma_wait3A_76, %dma_wait3A_84, %dma_wait3A_85] : memref<4x128x128xf32, #tpu.memory_space<vmem>> -> memref<1x72x128xf32, #tpu.memory_space<vmem>>
      %dma_wait3A_87 = tpu.memref_squeeze %dma_wait3A_86 : memref<1x72x128xf32, #tpu.memory_space<vmem>> -> memref<72x128xf32, #tpu.memory_space<vmem>>
      %dma_wait3A_88 = arith.constant 0 : i32
      %dma_wait3A_89 = arith.constant 0 : i32
      %dma_wait3A_90 = tpu.memref_slice %arg3[%dma_wait3A_88, %dma_wait3A_89] : memref<100000x128xf32, #tpu.memory_space<hbm>> -> memref<72x128xf32, #tpu.memory_space<hbm>>
      tpu.wait_dma2 semaphore(%arg9 : memref<!tpu.dma_semaphore, #tpu.memory_space<semaphore_mem>>) src(%dma_wait3A_90 : memref<72x128xf32, #tpu.memory_space<hbm>>) dst(%dma_wait3A_87 : memref<72x128xf32, #tpu.memory_space<vmem>>)
      %lt3A_91 = arith.constant 63 : i32
      %lt3A_92 = arith.cmpi slt, %scan3A_52, %lt3A_91 : i32
      %convert_element_type3A_93 = arith.extui %lt3A_92 : i1 to i32
      %cond3A_94 = arith.constant 0 : i32
      %cond3A_95 = arith.cmpi ne, %convert_element_type3A_93, %cond3A_94 : i32
      scf.if %cond3A_95 {
        %add3A_244 = arith.constant 1 : i32
        %add3A_245 = arith.addi %scan3A_52, %add3A_244 : i32
        %mul3A_246 = arith.constant 2 : i32
        %mul3A_247 = arith.muli %mul3A_246, %add3A_245 : i32
        %add3A_248 = arith.constant 0 : i32
        %add3A_249 = arith.addi %mul3A_247, %add3A_248 : i32
        %mul3A_250 = arith.constant 200 : i32
        %mul3A_251 = arith.muli %add3A_249, %mul3A_250 : i32
        %add3A_252 = arith.constant 128 : i32
        %add3A_253 = arith.addi %mul3A_251, %add3A_252 : i32
        %dma_start3A_254 = arith.constant 1 : i32
        %dma_start3A_255 = arith.constant 0 : i32
        %dma_start3A_256 = arith.constant 0 : i32
        %dma_start3A_257 = tpu.memref_slice %arg6[%dma_start3A_254, %dma_start3A_255, %dma_start3A_256] : memref<4x128x128xf32, #tpu.memory_space<vmem>> -> memref<1x72x128xf32, #tpu.memory_space<vmem>>
        %dma_start3A_258 = tpu.memref_squeeze %dma_start3A_257 : memref<1x72x128xf32, #tpu.memory_space<vmem>> -> memref<72x128xf32, #tpu.memory_space<vmem>>
        %dma_start3A_259 = tpu.memref_slice %arg5[%add3A_253] : memref<25600xi32, #tpu.memory_space<vmem>> -> memref<72xi32, #tpu.memory_space<vmem>>
        %dma_start3A_260 = arith.constant 0 : i32
        %dma_start3A_261 = arith.constant 0 : i32
        %dma_start3A_262 = tpu.memref_slice %arg3[%dma_start3A_260, %dma_start3A_261] : memref<100000x128xf32, #tpu.memory_space<hbm>> -> memref<100000x128xf32, #tpu.memory_space<hbm>>
        tpu.enqueue_indirect_dma source(%dma_start3A_262 : memref<100000x128xf32, #tpu.memory_space<hbm>>) target(%dma_start3A_258 : memref<72x128xf32, #tpu.memory_space<vmem>>) offsets(%dma_start3A_259 : memref<72xi32, #tpu.memory_space<vmem>>) semaphore(%arg9 : memref<!tpu.dma_semaphore, #tpu.memory_space<semaphore_mem>>)
      } else {
      }
      %scan3A_96 = arith.constant 1 : i32
      %scan3A_97 = arith.constant 0 : i32
      %scan3A_98 = arith.constant 18 : i32
      %scan3A_99 = arith.addi %scan3A_97, %scan3A_98 : i32
      %scan3A_100 = arith.constant 1 : i32
      %scan3A_101:8 = scf.for %scan3A_244 = %scan3A_97 to %scan3A_99 step %scan3A_100 iter_args(%scan3A_245 = %scan3A_74#0, %scan3A_246 = %scan3A_74#1, %scan3A_247 = %scan3A_74#2, %scan3A_248 = %scan3A_74#3, %scan3A_249 = %scan3A_74#4, %scan3A_250 = %scan3A_74#5, %scan3A_251 = %scan3A_74#6, %scan3A_252 = %scan3A_74#7) -> (vector<16xf32>, vector<16xf32>, vector<16xf32>, vector<16xf32>, vector<16xf32>, vector<16xf32>, vector<16xf32>, vector<16xf32>)  : i32 {
        %mul3A_253 = arith.constant 4 : i32
        %mul3A_254 = arith.muli %mul3A_253, %scan3A_244 : i32
        %add3A_255 = arith.constant 0 : i32
        %add3A_256 = arith.addi %mul3A_254, %add3A_255 : i32
        %get3A = arith.constant 0 : i32
        %get3A_257 = arith.constant 0 : i32
        %get3A_258 = tpu.memref_slice %arg6[%scan3A_96, %get3A, %get3A_257] : memref<4x128x128xf32, #tpu.memory_space<vmem>> -> memref<1x128x128xf32, #tpu.memory_space<vmem>>
        %get3A_259 = tpu.memref_squeeze %get3A_258 : memref<1x128x128xf32, #tpu.memory_space<vmem>> -> memref<128x128xf32, #tpu.memory_space<vmem>>
        %get3A_260 = arith.index_cast %add3A_256 : i32 to index
        %get3A_261 = arith.constant 0 : index
        %get3A_262 = tpu.vector_load %get3A_259[%get3A_260, %get3A_261] {strides = array<i32>} : memref<128x128xf32, #tpu.memory_space<vmem>>, vector<1x16xf32>,
        %get3A_263 = vector.shape_cast %get3A_262 : vector<1x16xf32> to vector<16xf32>
        %add3A_264 = arith.addf %scan3A_245, %get3A_263 : vector<16xf32>
        %mul3A_265 = arith.constant 4 : i32
        %mul3A_266 = arith.muli %mul3A_265, %scan3A_244 : i32
        %add3A_267 = arith.constant 0 : i32
        %add3A_268 = arith.addi %mul3A_266, %add3A_267 : i32
        %get3A_269 = arith.constant 0 : i32
        %get3A_270 = arith.constant 0 : i32
        %get3A_271 = tpu.memref_slice %arg6[%scan3A_96, %get3A_269, %get3A_270] : memref<4x128x128xf32, #tpu.memory_space<vmem>> -> memref<1x128x128xf32, #tpu.memory_space<vmem>>
        %get3A_272 = tpu.memref_squeeze %get3A_271 : memref<1x128x128xf32, #tpu.memory_space<vmem>> -> memref<128x128xf32, #tpu.memory_space<vmem>>
        %get3A_273 = arith.index_cast %add3A_268 : i32 to index
        %get3A_274 = arith.constant 16 : index
        %get3A_275 = tpu.vector_load %get3A_272[%get3A_273, %get3A_274] {strides = array<i32>} : memref<128x128xf32, #tpu.memory_space<vmem>>, vector<1x16xf32>,
        %get3A_276 = vector.shape_cast %get3A_275 : vector<1x16xf32> to vector<16xf32>
        %add3A_277 = arith.addf %scan3A_246, %get3A_276 : vector<16xf32>
        %mul3A_278 = arith.constant 4 : i32
        %mul3A_279 = arith.muli %mul3A_278, %scan3A_244 : i32
        %add3A_280 = arith.constant 0 : i32
        %add3A_281 = arith.addi %mul3A_279, %add3A_280 : i32
        %get3A_282 = arith.constant 0 : i32
        %get3A_283 = arith.constant 0 : i32
        %get3A_284 = tpu.memref_slice %arg6[%scan3A_96, %get3A_282, %get3A_283] : memref<4x128x128xf32, #tpu.memory_space<vmem>> -> memref<1x128x128xf32, #tpu.memory_space<vmem>>
        %get3A_285 = tpu.memref_squeeze %get3A_284 : memref<1x128x128xf32, #tpu.memory_space<vmem>> -> memref<128x128xf32, #tpu.memory_space<vmem>>
        %get3A_286 = arith.index_cast %add3A_281 : i32 to index
        %get3A_287 = arith.constant 32 : index
        %get3A_288 = tpu.vector_load %get3A_285[%get3A_286, %get3A_287] {strides = array<i32>} : memref<128x128xf32, #tpu.memory_space<vmem>>, vector<1x16xf32>,
        %get3A_289 = vector.shape_cast %get3A_288 : vector<1x16xf32> to vector<16xf32>
        %add3A_290 = arith.addf %scan3A_247, %get3A_289 : vector<16xf32>
        %mul3A_291 = arith.constant 4 : i32
        %mul3A_292 = arith.muli %mul3A_291, %scan3A_244 : i32
        %add3A_293 = arith.constant 0 : i32
        %add3A_294 = arith.addi %mul3A_292, %add3A_293 : i32
        %get3A_295 = arith.constant 0 : i32
        %get3A_296 = arith.constant 0 : i32
        %get3A_297 = tpu.memref_slice %arg6[%scan3A_96, %get3A_295, %get3A_296] : memref<4x128x128xf32, #tpu.memory_space<vmem>> -> memref<1x128x128xf32, #tpu.memory_space<vmem>>
        %get3A_298 = tpu.memref_squeeze %get3A_297 : memref<1x128x128xf32, #tpu.memory_space<vmem>> -> memref<128x128xf32, #tpu.memory_space<vmem>>
        %get3A_299 = arith.index_cast %add3A_294 : i32 to index
        %get3A_300 = arith.constant 48 : index
        %get3A_301 = tpu.vector_load %get3A_298[%get3A_299, %get3A_300] {strides = array<i32>} : memref<128x128xf32, #tpu.memory_space<vmem>>, vector<1x16xf32>,
        %get3A_302 = vector.shape_cast %get3A_301 : vector<1x16xf32> to vector<16xf32>
        %add3A_303 = arith.addf %scan3A_248, %get3A_302 : vector<16xf32>
        %mul3A_304 = arith.constant 4 : i32
        %mul3A_305 = arith.muli %mul3A_304, %scan3A_244 : i32
        %add3A_306 = arith.constant 0 : i32
        %add3A_307 = arith.addi %mul3A_305, %add3A_306 : i32
        %get3A_308 = arith.constant 0 : i32
        %get3A_309 = arith.constant 0 : i32
        %get3A_310 = tpu.memref_slice %arg6[%scan3A_96, %get3A_308, %get3A_309] : memref<4x128x128xf32, #tpu.memory_space<vmem>> -> memref<1x128x128xf32, #tpu.memory_space<vmem>>
        %get3A_311 = tpu.memref_squeeze %get3A_310 : memref<1x128x128xf32, #tpu.memory_space<vmem>> -> memref<128x128xf32, #tpu.memory_space<vmem>>
        %get3A_312 = arith.index_cast %add3A_307 : i32 to index
        %get3A_313 = arith.constant 64 : index
        %get3A_314 = tpu.vector_load %get3A_311[%get3A_312, %get3A_313] {strides = array<i32>} : memref<128x128xf32, #tpu.memory_space<vmem>>, vector<1x16xf32>,
        %get3A_315 = vector.shape_cast %get3A_314 : vector<1x16xf32> to vector<16xf32>
        %add3A_316 = arith.addf %scan3A_249, %get3A_315 : vector<16xf32>
        %mul3A_317 = arith.constant 4 : i32
        %mul3A_318 = arith.muli %mul3A_317, %scan3A_244 : i32
        %add3A_319 = arith.constant 0 : i32
        %add3A_320 = arith.addi %mul3A_318, %add3A_319 : i32
        %get3A_321 = arith.constant 0 : i32
        %get3A_322 = arith.constant 0 : i32
        %get3A_323 = tpu.memref_slice %arg6[%scan3A_96, %get3A_321, %get3A_322] : memref<4x128x128xf32, #tpu.memory_space<vmem>> -> memref<1x128x128xf32, #tpu.memory_space<vmem>>
        %get3A_324 = tpu.memref_squeeze %get3A_323 : memref<1x128x128xf32, #tpu.memory_space<vmem>> -> memref<128x128xf32, #tpu.memory_space<vmem>>
        %get3A_325 = arith.index_cast %add3A_320 : i32 to index
        %get3A_326 = arith.constant 80 : index
        %get3A_327 = tpu.vector_load %get3A_324[%get3A_325, %get3A_326] {strides = array<i32>} : memref<128x128xf32, #tpu.memory_space<vmem>>, vector<1x16xf32>,
        %get3A_328 = vector.shape_cast %get3A_327 : vector<1x16xf32> to vector<16xf32>
        %add3A_329 = arith.addf %scan3A_250, %get3A_328 : vector<16xf32>
        %mul3A_330 = arith.constant 4 : i32
        %mul3A_331 = arith.muli %mul3A_330, %scan3A_244 : i32
        %add3A_332 = arith.constant 0 : i32
        %add3A_333 = arith.addi %mul3A_331, %add3A_332 : i32
        %get3A_334 = arith.constant 0 : i32
        %get3A_335 = arith.constant 0 : i32
        %get3A_336 = tpu.memref_slice %arg6[%scan3A_96, %get3A_334, %get3A_335] : memref<4x128x128xf32, #tpu.memory_space<vmem>> -> memref<1x128x128xf32, #tpu.memory_space<vmem>>
        %get3A_337 = tpu.memref_squeeze %get3A_336 : memref<1x128x128xf32, #tpu.memory_space<vmem>> -> memref<128x128xf32, #tpu.memory_space<vmem>>
        %get3A_338 = arith.index_cast %add3A_333 : i32 to index
        %get3A_339 = arith.constant 96 : index
        %get3A_340 = tpu.vector_load %get3A_337[%get3A_338, %get3A_339] {strides = array<i32>} : memref<128x128xf32, #tpu.memory_space<vmem>>, vector<1x16xf32>,
        %get3A_341 = vector.shape_cast %get3A_340 : vector<1x16xf32> to vector<16xf32>
        %add3A_342 = arith.addf %scan3A_251, %get3A_341 : vector<16xf32>
        %mul3A_343 = arith.constant 4 : i32
        %mul3A_344 = arith.muli %mul3A_343, %scan3A_244 : i32
        %add3A_345 = arith.constant 0 : i32
        %add3A_346 = arith.addi %mul3A_344, %add3A_345 : i32
        %get3A_347 = arith.constant 0 : i32
        %get3A_348 = arith.constant 0 : i32
        %get3A_349 = tpu.memref_slice %arg6[%scan3A_96, %get3A_347, %get3A_348] : memref<4x128x128xf32, #tpu.memory_space<vmem>> -> memref<1x128x128xf32, #tpu.memory_space<vmem>>
        %get3A_350 = tpu.memref_squeeze %get3A_349 : memref<1x128x128xf32, #tpu.memory_space<vmem>> -> memref<128x128xf32, #tpu.memory_space<vmem>>
        %get3A_351 = arith.index_cast %add3A_346 : i32 to index
        %get3A_352 = arith.constant 112 : index
        %get3A_353 = tpu.vector_load %get3A_350[%get3A_351, %get3A_352] {strides = array<i32>} : memref<128x128xf32, #tpu.memory_space<vmem>>, vector<1x16xf32>,
        %get3A_354 = vector.shape_cast %get3A_353 : vector<1x16xf32> to vector<16xf32>
        %add3A_355 = arith.addf %scan3A_252, %get3A_354 : vector<16xf32>
        %mul3A_356 = arith.constant 4 : i32
        %mul3A_357 = arith.muli %mul3A_356, %scan3A_244 : i32
        %add3A_358 = arith.constant 1 : i32
        %add3A_359 = arith.addi %mul3A_357, %add3A_358 : i32
        %get3A_360 = arith.constant 0 : i32
        %get3A_361 = arith.constant 0 : i32
        %get3A_362 = tpu.memref_slice %arg6[%scan3A_96, %get3A_360, %get3A_361] : memref<4x128x128xf32, #tpu.memory_space<vmem>> -> memref<1x128x128xf32, #tpu.memory_space<vmem>>
        %get3A_363 = tpu.memref_squeeze %get3A_362 : memref<1x128x128xf32, #tpu.memory_space<vmem>> -> memref<128x128xf32, #tpu.memory_space<vmem>>
        %get3A_364 = arith.index_cast %add3A_359 : i32 to index
        %get3A_365 = arith.constant 0 : index
        %get3A_366 = tpu.vector_load %get3A_363[%get3A_364, %get3A_365] {strides = array<i32>} : memref<128x128xf32, #tpu.memory_space<vmem>>, vector<1x16xf32>,
        %get3A_367 = vector.shape_cast %get3A_366 : vector<1x16xf32> to vector<16xf32>
        %add3A_368 = arith.addf %add3A_264, %get3A_367 : vector<16xf32>
        %mul3A_369 = arith.constant 4 : i32
        %mul3A_370 = arith.muli %mul3A_369, %scan3A_244 : i32
        %add3A_371 = arith.constant 1 : i32
        %add3A_372 = arith.addi %mul3A_370, %add3A_371 : i32
        %get3A_373 = arith.constant 0 : i32
        %get3A_374 = arith.constant 0 : i32
        %get3A_375 = tpu.memref_slice %arg6[%scan3A_96, %get3A_373, %get3A_374] : memref<4x128x128xf32, #tpu.memory_space<vmem>> -> memref<1x128x128xf32, #tpu.memory_space<vmem>>
        %get3A_376 = tpu.memref_squeeze %get3A_375 : memref<1x128x128xf32, #tpu.memory_space<vmem>> -> memref<128x128xf32, #tpu.memory_space<vmem>>
        %get3A_377 = arith.index_cast %add3A_372 : i32 to index
        %get3A_378 = arith.constant 16 : index
        %get3A_379 = tpu.vector_load %get3A_376[%get3A_377, %get3A_378] {strides = array<i32>} : memref<128x128xf32, #tpu.memory_space<vmem>>, vector<1x16xf32>,
        %get3A_380 = vector.shape_cast %get3A_379 : vector<1x16xf32> to vector<16xf32>
        %add3A_381 = arith.addf %add3A_277, %get3A_380 : vector<16xf32>
        %mul3A_382 = arith.constant 4 : i32
        %mul3A_383 = arith.muli %mul3A_382, %scan3A_244 : i32
        %add3A_384 = arith.constant 1 : i32
        %add3A_385 = arith.addi %mul3A_383, %add3A_384 : i32
        %get3A_386 = arith.constant 0 : i32
        %get3A_387 = arith.constant 0 : i32
        %get3A_388 = tpu.memref_slice %arg6[%scan3A_96, %get3A_386, %get3A_387] : memref<4x128x128xf32, #tpu.memory_space<vmem>> -> memref<1x128x128xf32, #tpu.memory_space<vmem>>
        %get3A_389 = tpu.memref_squeeze %get3A_388 : memref<1x128x128xf32, #tpu.memory_space<vmem>> -> memref<128x128xf32, #tpu.memory_space<vmem>>
        %get3A_390 = arith.index_cast %add3A_385 : i32 to index
        %get3A_391 = arith.constant 32 : index
        %get3A_392 = tpu.vector_load %get3A_389[%get3A_390, %get3A_391] {strides = array<i32>} : memref<128x128xf32, #tpu.memory_space<vmem>>, vector<1x16xf32>,
        %get3A_393 = vector.shape_cast %get3A_392 : vector<1x16xf32> to vector<16xf32>
        %add3A_394 = arith.addf %add3A_290, %get3A_393 : vector<16xf32>
        %mul3A_395 = arith.constant 4 : i32
        %mul3A_396 = arith.muli %mul3A_395, %scan3A_244 : i32
        %add3A_397 = arith.constant 1 : i32
        %add3A_398 = arith.addi %mul3A_396, %add3A_397 : i32
        %get3A_399 = arith.constant 0 : i32
        %get3A_400 = arith.constant 0 : i32
        %get3A_401 = tpu.memref_slice %arg6[%scan3A_96, %get3A_399, %get3A_400] : memref<4x128x128xf32, #tpu.memory_space<vmem>> -> memref<1x128x128xf32, #tpu.memory_space<vmem>>
        %get3A_402 = tpu.memref_squeeze %get3A_401 : memref<1x128x128xf32, #tpu.memory_space<vmem>> -> memref<128x128xf32, #tpu.memory_space<vmem>>
        %get3A_403 = arith.index_cast %add3A_398 : i32 to index
        %get3A_404 = arith.constant 48 : index
        %get3A_405 = tpu.vector_load %get3A_402[%get3A_403, %get3A_404] {strides = array<i32>} : memref<128x128xf32, #tpu.memory_space<vmem>>, vector<1x16xf32>,
        %get3A_406 = vector.shape_cast %get3A_405 : vector<1x16xf32> to vector<16xf32>
        %add3A_407 = arith.addf %add3A_303, %get3A_406 : vector<16xf32>
        %mul3A_408 = arith.constant 4 : i32
        %mul3A_409 = arith.muli %mul3A_408, %scan3A_244 : i32
        %add3A_410 = arith.constant 1 : i32
        %add3A_411 = arith.addi %mul3A_409, %add3A_410 : i32
        %get3A_412 = arith.constant 0 : i32
        %get3A_413 = arith.constant 0 : i32
        %get3A_414 = tpu.memref_slice %arg6[%scan3A_96, %get3A_412, %get3A_413] : memref<4x128x128xf32, #tpu.memory_space<vmem>> -> memref<1x128x128xf32, #tpu.memory_space<vmem>>
        %get3A_415 = tpu.memref_squeeze %get3A_414 : memref<1x128x128xf32, #tpu.memory_space<vmem>> -> memref<128x128xf32, #tpu.memory_space<vmem>>
        %get3A_416 = arith.index_cast %add3A_411 : i32 to index
        %get3A_417 = arith.constant 64 : index
        %get3A_418 = tpu.vector_load %get3A_415[%get3A_416, %get3A_417] {strides = array<i32>} : memref<128x128xf32, #tpu.memory_space<vmem>>, vector<1x16xf32>,
        %get3A_419 = vector.shape_cast %get3A_418 : vector<1x16xf32> to vector<16xf32>
        %add3A_420 = arith.addf %add3A_316, %get3A_419 : vector<16xf32>
        %mul3A_421 = arith.constant 4 : i32
        %mul3A_422 = arith.muli %mul3A_421, %scan3A_244 : i32
        %add3A_423 = arith.constant 1 : i32
        %add3A_424 = arith.addi %mul3A_422, %add3A_423 : i32
        %get3A_425 = arith.constant 0 : i32
        %get3A_426 = arith.constant 0 : i32
        %get3A_427 = tpu.memref_slice %arg6[%scan3A_96, %get3A_425, %get3A_426] : memref<4x128x128xf32, #tpu.memory_space<vmem>> -> memref<1x128x128xf32, #tpu.memory_space<vmem>>
        %get3A_428 = tpu.memref_squeeze %get3A_427 : memref<1x128x128xf32, #tpu.memory_space<vmem>> -> memref<128x128xf32, #tpu.memory_space<vmem>>
        %get3A_429 = arith.index_cast %add3A_424 : i32 to index
        %get3A_430 = arith.constant 80 : index
        %get3A_431 = tpu.vector_load %get3A_428[%get3A_429, %get3A_430] {strides = array<i32>} : memref<128x128xf32, #tpu.memory_space<vmem>>, vector<1x16xf32>,
        %get3A_432 = vector.shape_cast %get3A_431 : vector<1x16xf32> to vector<16xf32>
        %add3A_433 = arith.addf %add3A_329, %get3A_432 : vector<16xf32>
        %mul3A_434 = arith.constant 4 : i32
        %mul3A_435 = arith.muli %mul3A_434, %scan3A_244 : i32
        %add3A_436 = arith.constant 1 : i32
        %add3A_437 = arith.addi %mul3A_435, %add3A_436 : i32
        %get3A_438 = arith.constant 0 : i32
        %get3A_439 = arith.constant 0 : i32
        %get3A_440 = tpu.memref_slice %arg6[%scan3A_96, %get3A_438, %get3A_439] : memref<4x128x128xf32, #tpu.memory_space<vmem>> -> memref<1x128x128xf32, #tpu.memory_space<vmem>>
        %get3A_441 = tpu.memref_squeeze %get3A_440 : memref<1x128x128xf32, #tpu.memory_space<vmem>> -> memref<128x128xf32, #tpu.memory_space<vmem>>
        %get3A_442 = arith.index_cast %add3A_437 : i32 to index
        %get3A_443 = arith.constant 96 : index
        %get3A_444 = tpu.vector_load %get3A_441[%get3A_442, %get3A_443] {strides = array<i32>} : memref<128x128xf32, #tpu.memory_space<vmem>>, vector<1x16xf32>,
        %get3A_445 = vector.shape_cast %get3A_444 : vector<1x16xf32> to vector<16xf32>
        %add3A_446 = arith.addf %add3A_342, %get3A_445 : vector<16xf32>
        %mul3A_447 = arith.constant 4 : i32
        %mul3A_448 = arith.muli %mul3A_447, %scan3A_244 : i32
        %add3A_449 = arith.constant 1 : i32
        %add3A_450 = arith.addi %mul3A_448, %add3A_449 : i32
        %get3A_451 = arith.constant 0 : i32
        %get3A_452 = arith.constant 0 : i32
        %get3A_453 = tpu.memref_slice %arg6[%scan3A_96, %get3A_451, %get3A_452] : memref<4x128x128xf32, #tpu.memory_space<vmem>> -> memref<1x128x128xf32, #tpu.memory_space<vmem>>
        %get3A_454 = tpu.memref_squeeze %get3A_453 : memref<1x128x128xf32, #tpu.memory_space<vmem>> -> memref<128x128xf32, #tpu.memory_space<vmem>>
        %get3A_455 = arith.index_cast %add3A_450 : i32 to index
        %get3A_456 = arith.constant 112 : index
        %get3A_457 = tpu.vector_load %get3A_454[%get3A_455, %get3A_456] {strides = array<i32>} : memref<128x128xf32, #tpu.memory_space<vmem>>, vector<1x16xf32>,
        %get3A_458 = vector.shape_cast %get3A_457 : vector<1x16xf32> to vector<16xf32>
        %add3A_459 = arith.addf %add3A_355, %get3A_458 : vector<16xf32>
        %mul3A_460 = arith.constant 4 : i32
        %mul3A_461 = arith.muli %mul3A_460, %scan3A_244 : i32
        %add3A_462 = arith.constant 2 : i32
        %add3A_463 = arith.addi %mul3A_461, %add3A_462 : i32
        %get3A_464 = arith.constant 0 : i32
        %get3A_465 = arith.constant 0 : i32
        %get3A_466 = tpu.memref_slice %arg6[%scan3A_96, %get3A_464, %get3A_465] : memref<4x128x128xf32, #tpu.memory_space<vmem>> -> memref<1x128x128xf32, #tpu.memory_space<vmem>>
        %get3A_467 = tpu.memref_squeeze %get3A_466 : memref<1x128x128xf32, #tpu.memory_space<vmem>> -> memref<128x128xf32, #tpu.memory_space<vmem>>
        %get3A_468 = arith.index_cast %add3A_463 : i32 to index
        %get3A_469 = arith.constant 0 : index
        %get3A_470 = tpu.vector_load %get3A_467[%get3A_468, %get3A_469] {strides = array<i32>} : memref<128x128xf32, #tpu.memory_space<vmem>>, vector<1x16xf32>,
        %get3A_471 = vector.shape_cast %get3A_470 : vector<1x16xf32> to vector<16xf32>
        %add3A_472 = arith.addf %add3A_368, %get3A_471 : vector<16xf32>
        %mul3A_473 = arith.constant 4 : i32
        %mul3A_474 = arith.muli %mul3A_473, %scan3A_244 : i32
        %add3A_475 = arith.constant 2 : i32
        %add3A_476 = arith.addi %mul3A_474, %add3A_475 : i32
        %get3A_477 = arith.constant 0 : i32
        %get3A_478 = arith.constant 0 : i32
        %get3A_479 = tpu.memref_slice %arg6[%scan3A_96, %get3A_477, %get3A_478] : memref<4x128x128xf32, #tpu.memory_space<vmem>> -> memref<1x128x128xf32, #tpu.memory_space<vmem>>
        %get3A_480 = tpu.memref_squeeze %get3A_479 : memref<1x128x128xf32, #tpu.memory_space<vmem>> -> memref<128x128xf32, #tpu.memory_space<vmem>>
        %get3A_481 = arith.index_cast %add3A_476 : i32 to index
        %get3A_482 = arith.constant 16 : index
        %get3A_483 = tpu.vector_load %get3A_480[%get3A_481, %get3A_482] {strides = array<i32>} : memref<128x128xf32, #tpu.memory_space<vmem>>, vector<1x16xf32>,
        %get3A_484 = vector.shape_cast %get3A_483 : vector<1x16xf32> to vector<16xf32>
        %add3A_485 = arith.addf %add3A_381, %get3A_484 : vector<16xf32>
        %mul3A_486 = arith.constant 4 : i32
        %mul3A_487 = arith.muli %mul3A_486, %scan3A_244 : i32
        %add3A_488 = arith.constant 2 : i32
        %add3A_489 = arith.addi %mul3A_487, %add3A_488 : i32
        %get3A_490 = arith.constant 0 : i32
        %get3A_491 = arith.constant 0 : i32
        %get3A_492 = tpu.memref_slice %arg6[%scan3A_96, %get3A_490, %get3A_491] : memref<4x128x128xf32, #tpu.memory_space<vmem>> -> memref<1x128x128xf32, #tpu.memory_space<vmem>>
        %get3A_493 = tpu.memref_squeeze %get3A_492 : memref<1x128x128xf32, #tpu.memory_space<vmem>> -> memref<128x128xf32, #tpu.memory_space<vmem>>
        %get3A_494 = arith.index_cast %add3A_489 : i32 to index
        %get3A_495 = arith.constant 32 : index
        %get3A_496 = tpu.vector_load %get3A_493[%get3A_494, %get3A_495] {strides = array<i32>} : memref<128x128xf32, #tpu.memory_space<vmem>>, vector<1x16xf32>,
        %get3A_497 = vector.shape_cast %get3A_496 : vector<1x16xf32> to vector<16xf32>
        %add3A_498 = arith.addf %add3A_394, %get3A_497 : vector<16xf32>
        %mul3A_499 = arith.constant 4 : i32
        %mul3A_500 = arith.muli %mul3A_499, %scan3A_244 : i32
        %add3A_501 = arith.constant 2 : i32
        %add3A_502 = arith.addi %mul3A_500, %add3A_501 : i32
        %get3A_503 = arith.constant 0 : i32
        %get3A_504 = arith.constant 0 : i32
        %get3A_505 = tpu.memref_slice %arg6[%scan3A_96, %get3A_503, %get3A_504] : memref<4x128x128xf32, #tpu.memory_space<vmem>> -> memref<1x128x128xf32, #tpu.memory_space<vmem>>
        %get3A_506 = tpu.memref_squeeze %get3A_505 : memref<1x128x128xf32, #tpu.memory_space<vmem>> -> memref<128x128xf32, #tpu.memory_space<vmem>>
        %get3A_507 = arith.index_cast %add3A_502 : i32 to index
        %get3A_508 = arith.constant 48 : index
        %get3A_509 = tpu.vector_load %get3A_506[%get3A_507, %get3A_508] {strides = array<i32>} : memref<128x128xf32, #tpu.memory_space<vmem>>, vector<1x16xf32>,
        %get3A_510 = vector.shape_cast %get3A_509 : vector<1x16xf32> to vector<16xf32>
        %add3A_511 = arith.addf %add3A_407, %get3A_510 : vector<16xf32>
        %mul3A_512 = arith.constant 4 : i32
        %mul3A_513 = arith.muli %mul3A_512, %scan3A_244 : i32
        %add3A_514 = arith.constant 2 : i32
        %add3A_515 = arith.addi %mul3A_513, %add3A_514 : i32
        %get3A_516 = arith.constant 0 : i32
        %get3A_517 = arith.constant 0 : i32
        %get3A_518 = tpu.memref_slice %arg6[%scan3A_96, %get3A_516, %get3A_517] : memref<4x128x128xf32, #tpu.memory_space<vmem>> -> memref<1x128x128xf32, #tpu.memory_space<vmem>>
        %get3A_519 = tpu.memref_squeeze %get3A_518 : memref<1x128x128xf32, #tpu.memory_space<vmem>> -> memref<128x128xf32, #tpu.memory_space<vmem>>
        %get3A_520 = arith.index_cast %add3A_515 : i32 to index
        %get3A_521 = arith.constant 64 : index
        %get3A_522 = tpu.vector_load %get3A_519[%get3A_520, %get3A_521] {strides = array<i32>} : memref<128x128xf32, #tpu.memory_space<vmem>>, vector<1x16xf32>,
        %get3A_523 = vector.shape_cast %get3A_522 : vector<1x16xf32> to vector<16xf32>
        %add3A_524 = arith.addf %add3A_420, %get3A_523 : vector<16xf32>
        %mul3A_525 = arith.constant 4 : i32
        %mul3A_526 = arith.muli %mul3A_525, %scan3A_244 : i32
        %add3A_527 = arith.constant 2 : i32
        %add3A_528 = arith.addi %mul3A_526, %add3A_527 : i32
        %get3A_529 = arith.constant 0 : i32
        %get3A_530 = arith.constant 0 : i32
        %get3A_531 = tpu.memref_slice %arg6[%scan3A_96, %get3A_529, %get3A_530] : memref<4x128x128xf32, #tpu.memory_space<vmem>> -> memref<1x128x128xf32, #tpu.memory_space<vmem>>
        %get3A_532 = tpu.memref_squeeze %get3A_531 : memref<1x128x128xf32, #tpu.memory_space<vmem>> -> memref<128x128xf32, #tpu.memory_space<vmem>>
        %get3A_533 = arith.index_cast %add3A_528 : i32 to index
        %get3A_534 = arith.constant 80 : index
        %get3A_535 = tpu.vector_load %get3A_532[%get3A_533, %get3A_534] {strides = array<i32>} : memref<128x128xf32, #tpu.memory_space<vmem>>, vector<1x16xf32>,
        %get3A_536 = vector.shape_cast %get3A_535 : vector<1x16xf32> to vector<16xf32>
        %add3A_537 = arith.addf %add3A_433, %get3A_536 : vector<16xf32>
        %mul3A_538 = arith.constant 4 : i32
        %mul3A_539 = arith.muli %mul3A_538, %scan3A_244 : i32
        %add3A_540 = arith.constant 2 : i32
        %add3A_541 = arith.addi %mul3A_539, %add3A_540 : i32
        %get3A_542 = arith.constant 0 : i32
        %get3A_543 = arith.constant 0 : i32
        %get3A_544 = tpu.memref_slice %arg6[%scan3A_96, %get3A_542, %get3A_543] : memref<4x128x128xf32, #tpu.memory_space<vmem>> -> memref<1x128x128xf32, #tpu.memory_space<vmem>>
        %get3A_545 = tpu.memref_squeeze %get3A_544 : memref<1x128x128xf32, #tpu.memory_space<vmem>> -> memref<128x128xf32, #tpu.memory_space<vmem>>
        %get3A_546 = arith.index_cast %add3A_541 : i32 to index
        %get3A_547 = arith.constant 96 : index
        %get3A_548 = tpu.vector_load %get3A_545[%get3A_546, %get3A_547] {strides = array<i32>} : memref<128x128xf32, #tpu.memory_space<vmem>>, vector<1x16xf32>,
        %get3A_549 = vector.shape_cast %get3A_548 : vector<1x16xf32> to vector<16xf32>
        %add3A_550 = arith.addf %add3A_446, %get3A_549 : vector<16xf32>
        %mul3A_551 = arith.constant 4 : i32
        %mul3A_552 = arith.muli %mul3A_551, %scan3A_244 : i32
        %add3A_553 = arith.constant 2 : i32
        %add3A_554 = arith.addi %mul3A_552, %add3A_553 : i32
        %get3A_555 = arith.constant 0 : i32
        %get3A_556 = arith.constant 0 : i32
        %get3A_557 = tpu.memref_slice %arg6[%scan3A_96, %get3A_555, %get3A_556] : memref<4x128x128xf32, #tpu.memory_space<vmem>> -> memref<1x128x128xf32, #tpu.memory_space<vmem>>
        %get3A_558 = tpu.memref_squeeze %get3A_557 : memref<1x128x128xf32, #tpu.memory_space<vmem>> -> memref<128x128xf32, #tpu.memory_space<vmem>>
        %get3A_559 = arith.index_cast %add3A_554 : i32 to index
        %get3A_560 = arith.constant 112 : index
        %get3A_561 = tpu.vector_load %get3A_558[%get3A_559, %get3A_560] {strides = array<i32>} : memref<128x128xf32, #tpu.memory_space<vmem>>, vector<1x16xf32>,
        %get3A_562 = vector.shape_cast %get3A_561 : vector<1x16xf32> to vector<16xf32>
        %add3A_563 = arith.addf %add3A_459, %get3A_562 : vector<16xf32>
        %mul3A_564 = arith.constant 4 : i32
        %mul3A_565 = arith.muli %mul3A_564, %scan3A_244 : i32
        %add3A_566 = arith.constant 3 : i32
        %add3A_567 = arith.addi %mul3A_565, %add3A_566 : i32
        %get3A_568 = arith.constant 0 : i32
        %get3A_569 = arith.constant 0 : i32
        %get3A_570 = tpu.memref_slice %arg6[%scan3A_96, %get3A_568, %get3A_569] : memref<4x128x128xf32, #tpu.memory_space<vmem>> -> memref<1x128x128xf32, #tpu.memory_space<vmem>>
        %get3A_571 = tpu.memref_squeeze %get3A_570 : memref<1x128x128xf32, #tpu.memory_space<vmem>> -> memref<128x128xf32, #tpu.memory_space<vmem>>
        %get3A_572 = arith.index_cast %add3A_567 : i32 to index
        %get3A_573 = arith.constant 0 : index
        %get3A_574 = tpu.vector_load %get3A_571[%get3A_572, %get3A_573] {strides = array<i32>} : memref<128x128xf32, #tpu.memory_space<vmem>>, vector<1x16xf32>,
        %get3A_575 = vector.shape_cast %get3A_574 : vector<1x16xf32> to vector<16xf32>
        %add3A_576 = arith.addf %add3A_472, %get3A_575 : vector<16xf32>
        %mul3A_577 = arith.constant 4 : i32
        %mul3A_578 = arith.muli %mul3A_577, %scan3A_244 : i32
        %add3A_579 = arith.constant 3 : i32
        %add3A_580 = arith.addi %mul3A_578, %add3A_579 : i32
        %get3A_581 = arith.constant 0 : i32
        %get3A_582 = arith.constant 0 : i32
        %get3A_583 = tpu.memref_slice %arg6[%scan3A_96, %get3A_581, %get3A_582] : memref<4x128x128xf32, #tpu.memory_space<vmem>> -> memref<1x128x128xf32, #tpu.memory_space<vmem>>
        %get3A_584 = tpu.memref_squeeze %get3A_583 : memref<1x128x128xf32, #tpu.memory_space<vmem>> -> memref<128x128xf32, #tpu.memory_space<vmem>>
        %get3A_585 = arith.index_cast %add3A_580 : i32 to index
        %get3A_586 = arith.constant 16 : index
        %get3A_587 = tpu.vector_load %get3A_584[%get3A_585, %get3A_586] {strides = array<i32>} : memref<128x128xf32, #tpu.memory_space<vmem>>, vector<1x16xf32>,
        %get3A_588 = vector.shape_cast %get3A_587 : vector<1x16xf32> to vector<16xf32>
        %add3A_589 = arith.addf %add3A_485, %get3A_588 : vector<16xf32>
        %mul3A_590 = arith.constant 4 : i32
        %mul3A_591 = arith.muli %mul3A_590, %scan3A_244 : i32
        %add3A_592 = arith.constant 3 : i32
        %add3A_593 = arith.addi %mul3A_591, %add3A_592 : i32
        %get3A_594 = arith.constant 0 : i32
        %get3A_595 = arith.constant 0 : i32
        %get3A_596 = tpu.memref_slice %arg6[%scan3A_96, %get3A_594, %get3A_595] : memref<4x128x128xf32, #tpu.memory_space<vmem>> -> memref<1x128x128xf32, #tpu.memory_space<vmem>>
        %get3A_597 = tpu.memref_squeeze %get3A_596 : memref<1x128x128xf32, #tpu.memory_space<vmem>> -> memref<128x128xf32, #tpu.memory_space<vmem>>
        %get3A_598 = arith.index_cast %add3A_593 : i32 to index
        %get3A_599 = arith.constant 32 : index
        %get3A_600 = tpu.vector_load %get3A_597[%get3A_598, %get3A_599] {strides = array<i32>} : memref<128x128xf32, #tpu.memory_space<vmem>>, vector<1x16xf32>,
        %get3A_601 = vector.shape_cast %get3A_600 : vector<1x16xf32> to vector<16xf32>
        %add3A_602 = arith.addf %add3A_498, %get3A_601 : vector<16xf32>
        %mul3A_603 = arith.constant 4 : i32
        %mul3A_604 = arith.muli %mul3A_603, %scan3A_244 : i32
        %add3A_605 = arith.constant 3 : i32
        %add3A_606 = arith.addi %mul3A_604, %add3A_605 : i32
        %get3A_607 = arith.constant 0 : i32
        %get3A_608 = arith.constant 0 : i32
        %get3A_609 = tpu.memref_slice %arg6[%scan3A_96, %get3A_607, %get3A_608] : memref<4x128x128xf32, #tpu.memory_space<vmem>> -> memref<1x128x128xf32, #tpu.memory_space<vmem>>
        %get3A_610 = tpu.memref_squeeze %get3A_609 : memref<1x128x128xf32, #tpu.memory_space<vmem>> -> memref<128x128xf32, #tpu.memory_space<vmem>>
        %get3A_611 = arith.index_cast %add3A_606 : i32 to index
        %get3A_612 = arith.constant 48 : index
        %get3A_613 = tpu.vector_load %get3A_610[%get3A_611, %get3A_612] {strides = array<i32>} : memref<128x128xf32, #tpu.memory_space<vmem>>, vector<1x16xf32>,
        %get3A_614 = vector.shape_cast %get3A_613 : vector<1x16xf32> to vector<16xf32>
        %add3A_615 = arith.addf %add3A_511, %get3A_614 : vector<16xf32>
        %mul3A_616 = arith.constant 4 : i32
        %mul3A_617 = arith.muli %mul3A_616, %scan3A_244 : i32
        %add3A_618 = arith.constant 3 : i32
        %add3A_619 = arith.addi %mul3A_617, %add3A_618 : i32
        %get3A_620 = arith.constant 0 : i32
        %get3A_621 = arith.constant 0 : i32
        %get3A_622 = tpu.memref_slice %arg6[%scan3A_96, %get3A_620, %get3A_621] : memref<4x128x128xf32, #tpu.memory_space<vmem>> -> memref<1x128x128xf32, #tpu.memory_space<vmem>>
        %get3A_623 = tpu.memref_squeeze %get3A_622 : memref<1x128x128xf32, #tpu.memory_space<vmem>> -> memref<128x128xf32, #tpu.memory_space<vmem>>
        %get3A_624 = arith.index_cast %add3A_619 : i32 to index
        %get3A_625 = arith.constant 64 : index
        %get3A_626 = tpu.vector_load %get3A_623[%get3A_624, %get3A_625] {strides = array<i32>} : memref<128x128xf32, #tpu.memory_space<vmem>>, vector<1x16xf32>,
        %get3A_627 = vector.shape_cast %get3A_626 : vector<1x16xf32> to vector<16xf32>
        %add3A_628 = arith.addf %add3A_524, %get3A_627 : vector<16xf32>
        %mul3A_629 = arith.constant 4 : i32
        %mul3A_630 = arith.muli %mul3A_629, %scan3A_244 : i32
        %add3A_631 = arith.constant 3 : i32
        %add3A_632 = arith.addi %mul3A_630, %add3A_631 : i32
        %get3A_633 = arith.constant 0 : i32
        %get3A_634 = arith.constant 0 : i32
        %get3A_635 = tpu.memref_slice %arg6[%scan3A_96, %get3A_633, %get3A_634] : memref<4x128x128xf32, #tpu.memory_space<vmem>> -> memref<1x128x128xf32, #tpu.memory_space<vmem>>
        %get3A_636 = tpu.memref_squeeze %get3A_635 : memref<1x128x128xf32, #tpu.memory_space<vmem>> -> memref<128x128xf32, #tpu.memory_space<vmem>>
        %get3A_637 = arith.index_cast %add3A_632 : i32 to index
        %get3A_638 = arith.constant 80 : index
        %get3A_639 = tpu.vector_load %get3A_636[%get3A_637, %get3A_638] {strides = array<i32>} : memref<128x128xf32, #tpu.memory_space<vmem>>, vector<1x16xf32>,
        %get3A_640 = vector.shape_cast %get3A_639 : vector<1x16xf32> to vector<16xf32>
        %add3A_641 = arith.addf %add3A_537, %get3A_640 : vector<16xf32>
        %mul3A_642 = arith.constant 4 : i32
        %mul3A_643 = arith.muli %mul3A_642, %scan3A_244 : i32
        %add3A_644 = arith.constant 3 : i32
        %add3A_645 = arith.addi %mul3A_643, %add3A_644 : i32
        %get3A_646 = arith.constant 0 : i32
        %get3A_647 = arith.constant 0 : i32
        %get3A_648 = tpu.memref_slice %arg6[%scan3A_96, %get3A_646, %get3A_647] : memref<4x128x128xf32, #tpu.memory_space<vmem>> -> memref<1x128x128xf32, #tpu.memory_space<vmem>>
        %get3A_649 = tpu.memref_squeeze %get3A_648 : memref<1x128x128xf32, #tpu.memory_space<vmem>> -> memref<128x128xf32, #tpu.memory_space<vmem>>
        %get3A_650 = arith.index_cast %add3A_645 : i32 to index
        %get3A_651 = arith.constant 96 : index
        %get3A_652 = tpu.vector_load %get3A_649[%get3A_650, %get3A_651] {strides = array<i32>} : memref<128x128xf32, #tpu.memory_space<vmem>>, vector<1x16xf32>,
        %get3A_653 = vector.shape_cast %get3A_652 : vector<1x16xf32> to vector<16xf32>
        %add3A_654 = arith.addf %add3A_550, %get3A_653 : vector<16xf32>
        %mul3A_655 = arith.constant 4 : i32
        %mul3A_656 = arith.muli %mul3A_655, %scan3A_244 : i32
        %add3A_657 = arith.constant 3 : i32
        %add3A_658 = arith.addi %mul3A_656, %add3A_657 : i32
        %get3A_659 = arith.constant 0 : i32
        %get3A_660 = arith.constant 0 : i32
        %get3A_661 = tpu.memref_slice %arg6[%scan3A_96, %get3A_659, %get3A_660] : memref<4x128x128xf32, #tpu.memory_space<vmem>> -> memref<1x128x128xf32, #tpu.memory_space<vmem>>
        %get3A_662 = tpu.memref_squeeze %get3A_661 : memref<1x128x128xf32, #tpu.memory_space<vmem>> -> memref<128x128xf32, #tpu.memory_space<vmem>>
        %get3A_663 = arith.index_cast %add3A_658 : i32 to index
        %get3A_664 = arith.constant 112 : index
        %get3A_665 = tpu.vector_load %get3A_662[%get3A_663, %get3A_664] {strides = array<i32>} : memref<128x128xf32, #tpu.memory_space<vmem>>, vector<1x16xf32>,
        %get3A_666 = vector.shape_cast %get3A_665 : vector<1x16xf32> to vector<16xf32>
        %add3A_667 = arith.addf %add3A_563, %get3A_666 : vector<16xf32>
        scf.yield %add3A_576, %add3A_589, %add3A_602, %add3A_615, %add3A_628, %add3A_641, %add3A_654, %add3A_667 : vector<16xf32>, vector<16xf32>, vector<16xf32>, vector<16xf32>, vector<16xf32>, vector<16xf32>, vector<16xf32>, vector<16xf32>
      }
      %scan3A_102 = arith.constant 18 : i32
      %mul3A_103 = arith.constant 2 : i32
      %mul3A_104 = arith.muli %mul3A_103, %scan3A_52 : i32
      %add3A_105 = arith.constant 0 : i32
      %add3A_106 = arith.addi %mul3A_104, %add3A_105 : i32
      %swap3A = arith.index_cast %add3A_106 : i32 to index
      %swap3A_107 = arith.constant 0 : index
      %swap3A_108 = tpu.vector_load %arg7[%swap3A, %swap3A_107] {strides = array<i32>} : memref<128x128xf32, #tpu.memory_space<vmem>>, vector<1x16xf32>,
      %swap3A_109 = vector.shape_cast %swap3A_108 : vector<1x16xf32> to vector<16xf32>
      %swap3A_110 = vector.shape_cast %scan3A_101#0 : vector<16xf32> to vector<1x16xf32>
      tpu.vector_store %arg7[%swap3A, %swap3A_107], %swap3A_110 {strides = array<i32>} : memref<128x128xf32, #tpu.memory_space<vmem>>, vector<1x16xf32>,
      %swap3A_111 = arith.index_cast %add3A_106 : i32 to index
      %swap3A_112 = arith.constant 16 : index
      %swap3A_113 = tpu.vector_load %arg7[%swap3A_111, %swap3A_112] {strides = array<i32>} : memref<128x128xf32, #tpu.memory_space<vmem>>, vector<1x16xf32>,
      %swap3A_114 = vector.shape_cast %swap3A_113 : vector<1x16xf32> to vector<16xf32>
      %swap3A_115 = vector.shape_cast %scan3A_101#1 : vector<16xf32> to vector<1x16xf32>
      tpu.vector_store %arg7[%swap3A_111, %swap3A_112], %swap3A_115 {strides = array<i32>} : memref<128x128xf32, #tpu.memory_space<vmem>>, vector<1x16xf32>,
      %swap3A_116 = arith.index_cast %add3A_106 : i32 to index
      %swap3A_117 = arith.constant 32 : index
      %swap3A_118 = tpu.vector_load %arg7[%swap3A_116, %swap3A_117] {strides = array<i32>} : memref<128x128xf32, #tpu.memory_space<vmem>>, vector<1x16xf32>,
      %swap3A_119 = vector.shape_cast %swap3A_118 : vector<1x16xf32> to vector<16xf32>
      %swap3A_120 = vector.shape_cast %scan3A_101#2 : vector<16xf32> to vector<1x16xf32>
      tpu.vector_store %arg7[%swap3A_116, %swap3A_117], %swap3A_120 {strides = array<i32>} : memref<128x128xf32, #tpu.memory_space<vmem>>, vector<1x16xf32>,
      %swap3A_121 = arith.index_cast %add3A_106 : i32 to index
      %swap3A_122 = arith.constant 48 : index
      %swap3A_123 = tpu.vector_load %arg7[%swap3A_121, %swap3A_122] {strides = array<i32>} : memref<128x128xf32, #tpu.memory_space<vmem>>, vector<1x16xf32>,
      %swap3A_124 = vector.shape_cast %swap3A_123 : vector<1x16xf32> to vector<16xf32>
      %swap3A_125 = vector.shape_cast %scan3A_101#3 : vector<16xf32> to vector<1x16xf32>
      tpu.vector_store %arg7[%swap3A_121, %swap3A_122], %swap3A_125 {strides = array<i32>} : memref<128x128xf32, #tpu.memory_space<vmem>>, vector<1x16xf32>,
      %swap3A_126 = arith.index_cast %add3A_106 : i32 to index
      %swap3A_127 = arith.constant 64 : index
      %swap3A_128 = tpu.vector_load %arg7[%swap3A_126, %swap3A_127] {strides = array<i32>} : memref<128x128xf32, #tpu.memory_space<vmem>>, vector<1x16xf32>,
      %swap3A_129 = vector.shape_cast %swap3A_128 : vector<1x16xf32> to vector<16xf32>
      %swap3A_130 = vector.shape_cast %scan3A_101#4 : vector<16xf32> to vector<1x16xf32>
      tpu.vector_store %arg7[%swap3A_126, %swap3A_127], %swap3A_130 {strides = array<i32>} : memref<128x128xf32, #tpu.memory_space<vmem>>, vector<1x16xf32>,
      %swap3A_131 = arith.index_cast %add3A_106 : i32 to index
      %swap3A_132 = arith.constant 80 : index
      %swap3A_133 = tpu.vector_load %arg7[%swap3A_131, %swap3A_132] {strides = array<i32>} : memref<128x128xf32, #tpu.memory_space<vmem>>, vector<1x16xf32>,
      %swap3A_134 = vector.shape_cast %swap3A_133 : vector<1x16xf32> to vector<16xf32>
      %swap3A_135 = vector.shape_cast %scan3A_101#5 : vector<16xf32> to vector<1x16xf32>
      tpu.vector_store %arg7[%swap3A_131, %swap3A_132], %swap3A_135 {strides = array<i32>} : memref<128x128xf32, #tpu.memory_space<vmem>>, vector<1x16xf32>,
      %swap3A_136 = arith.index_cast %add3A_106 : i32 to index
      %swap3A_137 = arith.constant 96 : index
      %swap3A_138 = tpu.vector_load %arg7[%swap3A_136, %swap3A_137] {strides = array<i32>} : memref<128x128xf32, #tpu.memory_space<vmem>>, vector<1x16xf32>,
      %swap3A_139 = vector.shape_cast %swap3A_138 : vector<1x16xf32> to vector<16xf32>
      %swap3A_140 = vector.shape_cast %scan3A_101#6 : vector<16xf32> to vector<1x16xf32>
      tpu.vector_store %arg7[%swap3A_136, %swap3A_137], %swap3A_140 {strides = array<i32>} : memref<128x128xf32, #tpu.memory_space<vmem>>, vector<1x16xf32>,
      %swap3A_141 = arith.index_cast %add3A_106 : i32 to index
      %swap3A_142 = arith.constant 112 : index
      %swap3A_143 = tpu.vector_load %arg7[%swap3A_141, %swap3A_142] {strides = array<i32>} : memref<128x128xf32, #tpu.memory_space<vmem>>, vector<1x16xf32>,
      %swap3A_144 = vector.shape_cast %swap3A_143 : vector<1x16xf32> to vector<16xf32>
      %swap3A_145 = vector.shape_cast %scan3A_101#7 : vector<16xf32> to vector<1x16xf32>
      tpu.vector_store %arg7[%swap3A_141, %swap3A_142], %swap3A_145 {strides = array<i32>} : memref<128x128xf32, #tpu.memory_space<vmem>>, vector<1x16xf32>,
      %dma_wait3A_146 = arith.constant 2 : i32
      %dma_wait3A_147 = arith.constant 0 : i32
      %dma_wait3A_148 = arith.constant 0 : i32
      %dma_wait3A_149 = tpu.memref_slice %arg6[%dma_wait3A_146, %dma_wait3A_147, %dma_wait3A_148] : memref<4x128x128xf32, #tpu.memory_space<vmem>> -> memref<1x128x128xf32, #tpu.memory_space<vmem>>
      %dma_wait3A_150 = tpu.memref_squeeze %dma_wait3A_149 : memref<1x128x128xf32, #tpu.memory_space<vmem>> -> memref<128x128xf32, #tpu.memory_space<vmem>>
      %dma_wait3A_151 = arith.constant 0 : i32
      %dma_wait3A_152 = arith.constant 0 : i32
      %dma_wait3A_153 = tpu.memref_slice %arg3[%dma_wait3A_151, %dma_wait3A_152] : memref<100000x128xf32, #tpu.memory_space<hbm>> -> memref<128x128xf32, #tpu.memory_space<hbm>>
      %dma_wait3A_154 = arith.constant 0 : i32
      %dma_wait3A_155 = arith.constant 0 : i32
      %dma_wait3A_156 = tpu.memref_slice %arg6[%dma_wait3A_146, %dma_wait3A_154, %dma_wait3A_155] : memref<4x128x128xf32, #tpu.memory_space<vmem>> -> memref<1x128x128xf32, #tpu.memory_space<vmem>>
      %dma_wait3A_157 = tpu.memref_squeeze %dma_wait3A_156 : memref<1x128x128xf32, #tpu.memory_space<vmem>> -> memref<128x128xf32, #tpu.memory_space<vmem>>
      %dma_wait3A_158 = arith.constant 0 : i32
      %dma_wait3A_159 = arith.constant 0 : i32
      %dma_wait3A_160 = tpu.memref_slice %arg3[%dma_wait3A_158, %dma_wait3A_159] : memref<100000x128xf32, #tpu.memory_space<hbm>> -> memref<128x128xf32, #tpu.memory_space<hbm>>
      tpu.wait_dma2 semaphore(%arg10 : memref<!tpu.dma_semaphore, #tpu.memory_space<semaphore_mem>>) src(%dma_wait3A_160 : memref<128x128xf32, #tpu.memory_space<hbm>>) dst(%dma_wait3A_157 : memref<128x128xf32, #tpu.memory_space<vmem>>)
      %lt3A_161 = arith.constant 63 : i32
      %lt3A_162 = arith.cmpi slt, %scan3A_52, %lt3A_161 : i32
      %convert_element_type3A_163 = arith.extui %lt3A_162 : i1 to i32
      %cond3A_164 = arith.constant 0 : i32
      %cond3A_165 = arith.cmpi ne, %convert_element_type3A_163, %cond3A_164 : i32
      scf.if %cond3A_165 {
        %add3A_244 = arith.constant 1 : i32
        %add3A_245 = arith.addi %scan3A_52, %add3A_244 : i32
        %mul3A_246 = arith.constant 2 : i32
        %mul3A_247 = arith.muli %mul3A_246, %add3A_245 : i32
        %add3A_248 = arith.constant 1 : i32
        %add3A_249 = arith.addi %mul3A_247, %add3A_248 : i32
        %mul3A_250 = arith.constant 200 : i32
        %mul3A_251 = arith.muli %add3A_249, %mul3A_250 : i32
        %add3A_252 = arith.constant 0 : i32
        %add3A_253 = arith.addi %mul3A_251, %add3A_252 : i32
        %dma_start3A_254 = arith.constant 2 : i32
        %dma_start3A_255 = arith.constant 0 : i32
        %dma_start3A_256 = arith.constant 0 : i32
        %dma_start3A_257 = tpu.memref_slice %arg6[%dma_start3A_254, %dma_start3A_255, %dma_start3A_256] : memref<4x128x128xf32, #tpu.memory_space<vmem>> -> memref<1x128x128xf32, #tpu.memory_space<vmem>>
        %dma_start3A_258 = tpu.memref_squeeze %dma_start3A_257 : memref<1x128x128xf32, #tpu.memory_space<vmem>> -> memref<128x128xf32, #tpu.memory_space<vmem>>
        %dma_start3A_259 = tpu.memref_slice %arg5[%add3A_253] : memref<25600xi32, #tpu.memory_space<vmem>> -> memref<128xi32, #tpu.memory_space<vmem>>
        %dma_start3A_260 = arith.constant 0 : i32
        %dma_start3A_261 = arith.constant 0 : i32
        %dma_start3A_262 = tpu.memref_slice %arg3[%dma_start3A_260, %dma_start3A_261] : memref<100000x128xf32, #tpu.memory_space<hbm>> -> memref<100000x128xf32, #tpu.memory_space<hbm>>
        tpu.enqueue_indirect_dma source(%dma_start3A_262 : memref<100000x128xf32, #tpu.memory_space<hbm>>) target(%dma_start3A_258 : memref<128x128xf32, #tpu.memory_space<vmem>>) offsets(%dma_start3A_259 : memref<128xi32, #tpu.memory_space<vmem>>) semaphore(%arg10 : memref<!tpu.dma_semaphore, #tpu.memory_space<semaphore_mem>>)
      } else {
      }
      %scan3A_166 = arith.constant 2 : i32
      %scan3A_167 = arith.constant 0 : i32
      %scan3A_168 = arith.constant 32 : i32
      %scan3A_169 = arith.addi %scan3A_167, %scan3A_168 : i32
      %scan3A_170 = arith.constant 1 : i32
      %scan3A_171:8 = scf.for %scan3A_244 = %scan3A_167 to %scan3A_169 step %scan3A_170 iter_args(%scan3A_245 = %broadcast_in_dim3A_44, %scan3A_246 = %broadcast_in_dim3A_44, %scan3A_247 = %broadcast_in_dim3A_44, %scan3A_248 = %broadcast_in_dim3A_44, %scan3A_249 = %broadcast_in_dim3A_44, %scan3A_250 = %broadcast_in_dim3A_44, %scan3A_251 = %broadcast_in_dim3A_44, %scan3A_252 = %broadcast_in_dim3A_44) -> (vector<16xf32>, vector<16xf32>, vector<16xf32>, vector<16xf32>, vector<16xf32>, vector<16xf32>, vector<16xf32>, vector<16xf32>)  : i32 {
        %mul3A_253 = arith.constant 4 : i32
        %mul3A_254 = arith.muli %mul3A_253, %scan3A_244 : i32
        %add3A_255 = arith.constant 0 : i32
        %add3A_256 = arith.addi %mul3A_254, %add3A_255 : i32
        %get3A = arith.constant 0 : i32
        %get3A_257 = arith.constant 0 : i32
        %get3A_258 = tpu.memref_slice %arg6[%scan3A_166, %get3A, %get3A_257] : memref<4x128x128xf32, #tpu.memory_space<vmem>> -> memref<1x128x128xf32, #tpu.memory_space<vmem>>
        %get3A_259 = tpu.memref_squeeze %get3A_258 : memref<1x128x128xf32, #tpu.memory_space<vmem>> -> memref<128x128xf32, #tpu.memory_space<vmem>>
        %get3A_260 = arith.index_cast %add3A_256 : i32 to index
        %get3A_261 = arith.constant 0 : index
        %get3A_262 = tpu.vector_load %get3A_259[%get3A_260, %get3A_261] {strides = array<i32>} : memref<128x128xf32, #tpu.memory_space<vmem>>, vector<1x16xf32>,
        %get3A_263 = vector.shape_cast %get3A_262 : vector<1x16xf32> to vector<16xf32>
        %add3A_264 = arith.addf %scan3A_245, %get3A_263 : vector<16xf32>
        %mul3A_265 = arith.constant 4 : i32
        %mul3A_266 = arith.muli %mul3A_265, %scan3A_244 : i32
        %add3A_267 = arith.constant 0 : i32
        %add3A_268 = arith.addi %mul3A_266, %add3A_267 : i32
        %get3A_269 = arith.constant 0 : i32
        %get3A_270 = arith.constant 0 : i32
        %get3A_271 = tpu.memref_slice %arg6[%scan3A_166, %get3A_269, %get3A_270] : memref<4x128x128xf32, #tpu.memory_space<vmem>> -> memref<1x128x128xf32, #tpu.memory_space<vmem>>
        %get3A_272 = tpu.memref_squeeze %get3A_271 : memref<1x128x128xf32, #tpu.memory_space<vmem>> -> memref<128x128xf32, #tpu.memory_space<vmem>>
        %get3A_273 = arith.index_cast %add3A_268 : i32 to index
        %get3A_274 = arith.constant 16 : index
        %get3A_275 = tpu.vector_load %get3A_272[%get3A_273, %get3A_274] {strides = array<i32>} : memref<128x128xf32, #tpu.memory_space<vmem>>, vector<1x16xf32>,
        %get3A_276 = vector.shape_cast %get3A_275 : vector<1x16xf32> to vector<16xf32>
        %add3A_277 = arith.addf %scan3A_246, %get3A_276 : vector<16xf32>
        %mul3A_278 = arith.constant 4 : i32
        %mul3A_279 = arith.muli %mul3A_278, %scan3A_244 : i32
        %add3A_280 = arith.constant 0 : i32
        %add3A_281 = arith.addi %mul3A_279, %add3A_280 : i32
        %get3A_282 = arith.constant 0 : i32
        %get3A_283 = arith.constant 0 : i32
        %get3A_284 = tpu.memref_slice %arg6[%scan3A_166, %get3A_282, %get3A_283] : memref<4x128x128xf32, #tpu.memory_space<vmem>> -> memref<1x128x128xf32, #tpu.memory_space<vmem>>
        %get3A_285 = tpu.memref_squeeze %get3A_284 : memref<1x128x128xf32, #tpu.memory_space<vmem>> -> memref<128x128xf32, #tpu.memory_space<vmem>>
        %get3A_286 = arith.index_cast %add3A_281 : i32 to index
        %get3A_287 = arith.constant 32 : index
        %get3A_288 = tpu.vector_load %get3A_285[%get3A_286, %get3A_287] {strides = array<i32>} : memref<128x128xf32, #tpu.memory_space<vmem>>, vector<1x16xf32>,
        %get3A_289 = vector.shape_cast %get3A_288 : vector<1x16xf32> to vector<16xf32>
        %add3A_290 = arith.addf %scan3A_247, %get3A_289 : vector<16xf32>
        %mul3A_291 = arith.constant 4 : i32
        %mul3A_292 = arith.muli %mul3A_291, %scan3A_244 : i32
        %add3A_293 = arith.constant 0 : i32
        %add3A_294 = arith.addi %mul3A_292, %add3A_293 : i32
        %get3A_295 = arith.constant 0 : i32
        %get3A_296 = arith.constant 0 : i32
        %get3A_297 = tpu.memref_slice %arg6[%scan3A_166, %get3A_295, %get3A_296] : memref<4x128x128xf32, #tpu.memory_space<vmem>> -> memref<1x128x128xf32, #tpu.memory_space<vmem>>
        %get3A_298 = tpu.memref_squeeze %get3A_297 : memref<1x128x128xf32, #tpu.memory_space<vmem>> -> memref<128x128xf32, #tpu.memory_space<vmem>>
        %get3A_299 = arith.index_cast %add3A_294 : i32 to index
        %get3A_300 = arith.constant 48 : index
        %get3A_301 = tpu.vector_load %get3A_298[%get3A_299, %get3A_300] {strides = array<i32>} : memref<128x128xf32, #tpu.memory_space<vmem>>, vector<1x16xf32>,
        %get3A_302 = vector.shape_cast %get3A_301 : vector<1x16xf32> to vector<16xf32>
        %add3A_303 = arith.addf %scan3A_248, %get3A_302 : vector<16xf32>
        %mul3A_304 = arith.constant 4 : i32
        %mul3A_305 = arith.muli %mul3A_304, %scan3A_244 : i32
        %add3A_306 = arith.constant 0 : i32
        %add3A_307 = arith.addi %mul3A_305, %add3A_306 : i32
        %get3A_308 = arith.constant 0 : i32
        %get3A_309 = arith.constant 0 : i32
        %get3A_310 = tpu.memref_slice %arg6[%scan3A_166, %get3A_308, %get3A_309] : memref<4x128x128xf32, #tpu.memory_space<vmem>> -> memref<1x128x128xf32, #tpu.memory_space<vmem>>
        %get3A_311 = tpu.memref_squeeze %get3A_310 : memref<1x128x128xf32, #tpu.memory_space<vmem>> -> memref<128x128xf32, #tpu.memory_space<vmem>>
        %get3A_312 = arith.index_cast %add3A_307 : i32 to index
        %get3A_313 = arith.constant 64 : index
        %get3A_314 = tpu.vector_load %get3A_311[%get3A_312, %get3A_313] {strides = array<i32>} : memref<128x128xf32, #tpu.memory_space<vmem>>, vector<1x16xf32>,
        %get3A_315 = vector.shape_cast %get3A_314 : vector<1x16xf32> to vector<16xf32>
        %add3A_316 = arith.addf %scan3A_249, %get3A_315 : vector<16xf32>
        %mul3A_317 = arith.constant 4 : i32
        %mul3A_318 = arith.muli %mul3A_317, %scan3A_244 : i32
        %add3A_319 = arith.constant 0 : i32
        %add3A_320 = arith.addi %mul3A_318, %add3A_319 : i32
        %get3A_321 = arith.constant 0 : i32
        %get3A_322 = arith.constant 0 : i32
        %get3A_323 = tpu.memref_slice %arg6[%scan3A_166, %get3A_321, %get3A_322] : memref<4x128x128xf32, #tpu.memory_space<vmem>> -> memref<1x128x128xf32, #tpu.memory_space<vmem>>
        %get3A_324 = tpu.memref_squeeze %get3A_323 : memref<1x128x128xf32, #tpu.memory_space<vmem>> -> memref<128x128xf32, #tpu.memory_space<vmem>>
        %get3A_325 = arith.index_cast %add3A_320 : i32 to index
        %get3A_326 = arith.constant 80 : index
        %get3A_327 = tpu.vector_load %get3A_324[%get3A_325, %get3A_326] {strides = array<i32>} : memref<128x128xf32, #tpu.memory_space<vmem>>, vector<1x16xf32>,
        %get3A_328 = vector.shape_cast %get3A_327 : vector<1x16xf32> to vector<16xf32>
        %add3A_329 = arith.addf %scan3A_250, %get3A_328 : vector<16xf32>
        %mul3A_330 = arith.constant 4 : i32
        %mul3A_331 = arith.muli %mul3A_330, %scan3A_244 : i32
        %add3A_332 = arith.constant 0 : i32
        %add3A_333 = arith.addi %mul3A_331, %add3A_332 : i32
        %get3A_334 = arith.constant 0 : i32
        %get3A_335 = arith.constant 0 : i32
        %get3A_336 = tpu.memref_slice %arg6[%scan3A_166, %get3A_334, %get3A_335] : memref<4x128x128xf32, #tpu.memory_space<vmem>> -> memref<1x128x128xf32, #tpu.memory_space<vmem>>
        %get3A_337 = tpu.memref_squeeze %get3A_336 : memref<1x128x128xf32, #tpu.memory_space<vmem>> -> memref<128x128xf32, #tpu.memory_space<vmem>>
        %get3A_338 = arith.index_cast %add3A_333 : i32 to index
        %get3A_339 = arith.constant 96 : index
        %get3A_340 = tpu.vector_load %get3A_337[%get3A_338, %get3A_339] {strides = array<i32>} : memref<128x128xf32, #tpu.memory_space<vmem>>, vector<1x16xf32>,
        %get3A_341 = vector.shape_cast %get3A_340 : vector<1x16xf32> to vector<16xf32>
        %add3A_342 = arith.addf %scan3A_251, %get3A_341 : vector<16xf32>
        %mul3A_343 = arith.constant 4 : i32
        %mul3A_344 = arith.muli %mul3A_343, %scan3A_244 : i32
        %add3A_345 = arith.constant 0 : i32
        %add3A_346 = arith.addi %mul3A_344, %add3A_345 : i32
        %get3A_347 = arith.constant 0 : i32
        %get3A_348 = arith.constant 0 : i32
        %get3A_349 = tpu.memref_slice %arg6[%scan3A_166, %get3A_347, %get3A_348] : memref<4x128x128xf32, #tpu.memory_space<vmem>> -> memref<1x128x128xf32, #tpu.memory_space<vmem>>
        %get3A_350 = tpu.memref_squeeze %get3A_349 : memref<1x128x128xf32, #tpu.memory_space<vmem>> -> memref<128x128xf32, #tpu.memory_space<vmem>>
        %get3A_351 = arith.index_cast %add3A_346 : i32 to index
        %get3A_352 = arith.constant 112 : index
        %get3A_353 = tpu.vector_load %get3A_350[%get3A_351, %get3A_352] {strides = array<i32>} : memref<128x128xf32, #tpu.memory_space<vmem>>, vector<1x16xf32>,
        %get3A_354 = vector.shape_cast %get3A_353 : vector<1x16xf32> to vector<16xf32>
        %add3A_355 = arith.addf %scan3A_252, %get3A_354 : vector<16xf32>
        %mul3A_356 = arith.constant 4 : i32
        %mul3A_357 = arith.muli %mul3A_356, %scan3A_244 : i32
        %add3A_358 = arith.constant 1 : i32
        %add3A_359 = arith.addi %mul3A_357, %add3A_358 : i32
        %get3A_360 = arith.constant 0 : i32
        %get3A_361 = arith.constant 0 : i32
        %get3A_362 = tpu.memref_slice %arg6[%scan3A_166, %get3A_360, %get3A_361] : memref<4x128x128xf32, #tpu.memory_space<vmem>> -> memref<1x128x128xf32, #tpu.memory_space<vmem>>
        %get3A_363 = tpu.memref_squeeze %get3A_362 : memref<1x128x128xf32, #tpu.memory_space<vmem>> -> memref<128x128xf32, #tpu.memory_space<vmem>>
        %get3A_364 = arith.index_cast %add3A_359 : i32 to index
        %get3A_365 = arith.constant 0 : index
        %get3A_366 = tpu.vector_load %get3A_363[%get3A_364, %get3A_365] {strides = array<i32>} : memref<128x128xf32, #tpu.memory_space<vmem>>, vector<1x16xf32>,
        %get3A_367 = vector.shape_cast %get3A_366 : vector<1x16xf32> to vector<16xf32>
        %add3A_368 = arith.addf %add3A_264, %get3A_367 : vector<16xf32>
        %mul3A_369 = arith.constant 4 : i32
        %mul3A_370 = arith.muli %mul3A_369, %scan3A_244 : i32
        %add3A_371 = arith.constant 1 : i32
        %add3A_372 = arith.addi %mul3A_370, %add3A_371 : i32
        %get3A_373 = arith.constant 0 : i32
        %get3A_374 = arith.constant 0 : i32
        %get3A_375 = tpu.memref_slice %arg6[%scan3A_166, %get3A_373, %get3A_374] : memref<4x128x128xf32, #tpu.memory_space<vmem>> -> memref<1x128x128xf32, #tpu.memory_space<vmem>>
        %get3A_376 = tpu.memref_squeeze %get3A_375 : memref<1x128x128xf32, #tpu.memory_space<vmem>> -> memref<128x128xf32, #tpu.memory_space<vmem>>
        %get3A_377 = arith.index_cast %add3A_372 : i32 to index
        %get3A_378 = arith.constant 16 : index
        %get3A_379 = tpu.vector_load %get3A_376[%get3A_377, %get3A_378] {strides = array<i32>} : memref<128x128xf32, #tpu.memory_space<vmem>>, vector<1x16xf32>,
        %get3A_380 = vector.shape_cast %get3A_379 : vector<1x16xf32> to vector<16xf32>
        %add3A_381 = arith.addf %add3A_277, %get3A_380 : vector<16xf32>
        %mul3A_382 = arith.constant 4 : i32
        %mul3A_383 = arith.muli %mul3A_382, %scan3A_244 : i32
        %add3A_384 = arith.constant 1 : i32
        %add3A_385 = arith.addi %mul3A_383, %add3A_384 : i32
        %get3A_386 = arith.constant 0 : i32
        %get3A_387 = arith.constant 0 : i32
        %get3A_388 = tpu.memref_slice %arg6[%scan3A_166, %get3A_386, %get3A_387] : memref<4x128x128xf32, #tpu.memory_space<vmem>> -> memref<1x128x128xf32, #tpu.memory_space<vmem>>
        %get3A_389 = tpu.memref_squeeze %get3A_388 : memref<1x128x128xf32, #tpu.memory_space<vmem>> -> memref<128x128xf32, #tpu.memory_space<vmem>>
        %get3A_390 = arith.index_cast %add3A_385 : i32 to index
        %get3A_391 = arith.constant 32 : index
        %get3A_392 = tpu.vector_load %get3A_389[%get3A_390, %get3A_391] {strides = array<i32>} : memref<128x128xf32, #tpu.memory_space<vmem>>, vector<1x16xf32>,
        %get3A_393 = vector.shape_cast %get3A_392 : vector<1x16xf32> to vector<16xf32>
        %add3A_394 = arith.addf %add3A_290, %get3A_393 : vector<16xf32>
        %mul3A_395 = arith.constant 4 : i32
        %mul3A_396 = arith.muli %mul3A_395, %scan3A_244 : i32
        %add3A_397 = arith.constant 1 : i32
        %add3A_398 = arith.addi %mul3A_396, %add3A_397 : i32
        %get3A_399 = arith.constant 0 : i32
        %get3A_400 = arith.constant 0 : i32
        %get3A_401 = tpu.memref_slice %arg6[%scan3A_166, %get3A_399, %get3A_400] : memref<4x128x128xf32, #tpu.memory_space<vmem>> -> memref<1x128x128xf32, #tpu.memory_space<vmem>>
        %get3A_402 = tpu.memref_squeeze %get3A_401 : memref<1x128x128xf32, #tpu.memory_space<vmem>> -> memref<128x128xf32, #tpu.memory_space<vmem>>
        %get3A_403 = arith.index_cast %add3A_398 : i32 to index
        %get3A_404 = arith.constant 48 : index
        %get3A_405 = tpu.vector_load %get3A_402[%get3A_403, %get3A_404] {strides = array<i32>} : memref<128x128xf32, #tpu.memory_space<vmem>>, vector<1x16xf32>,
        %get3A_406 = vector.shape_cast %get3A_405 : vector<1x16xf32> to vector<16xf32>
        %add3A_407 = arith.addf %add3A_303, %get3A_406 : vector<16xf32>
        %mul3A_408 = arith.constant 4 : i32
        %mul3A_409 = arith.muli %mul3A_408, %scan3A_244 : i32
        %add3A_410 = arith.constant 1 : i32
        %add3A_411 = arith.addi %mul3A_409, %add3A_410 : i32
        %get3A_412 = arith.constant 0 : i32
        %get3A_413 = arith.constant 0 : i32
        %get3A_414 = tpu.memref_slice %arg6[%scan3A_166, %get3A_412, %get3A_413] : memref<4x128x128xf32, #tpu.memory_space<vmem>> -> memref<1x128x128xf32, #tpu.memory_space<vmem>>
        %get3A_415 = tpu.memref_squeeze %get3A_414 : memref<1x128x128xf32, #tpu.memory_space<vmem>> -> memref<128x128xf32, #tpu.memory_space<vmem>>
        %get3A_416 = arith.index_cast %add3A_411 : i32 to index
        %get3A_417 = arith.constant 64 : index
        %get3A_418 = tpu.vector_load %get3A_415[%get3A_416, %get3A_417] {strides = array<i32>} : memref<128x128xf32, #tpu.memory_space<vmem>>, vector<1x16xf32>,
        %get3A_419 = vector.shape_cast %get3A_418 : vector<1x16xf32> to vector<16xf32>
        %add3A_420 = arith.addf %add3A_316, %get3A_419 : vector<16xf32>
        %mul3A_421 = arith.constant 4 : i32
        %mul3A_422 = arith.muli %mul3A_421, %scan3A_244 : i32
        %add3A_423 = arith.constant 1 : i32
        %add3A_424 = arith.addi %mul3A_422, %add3A_423 : i32
        %get3A_425 = arith.constant 0 : i32
        %get3A_426 = arith.constant 0 : i32
        %get3A_427 = tpu.memref_slice %arg6[%scan3A_166, %get3A_425, %get3A_426] : memref<4x128x128xf32, #tpu.memory_space<vmem>> -> memref<1x128x128xf32, #tpu.memory_space<vmem>>
        %get3A_428 = tpu.memref_squeeze %get3A_427 : memref<1x128x128xf32, #tpu.memory_space<vmem>> -> memref<128x128xf32, #tpu.memory_space<vmem>>
        %get3A_429 = arith.index_cast %add3A_424 : i32 to index
        %get3A_430 = arith.constant 80 : index
        %get3A_431 = tpu.vector_load %get3A_428[%get3A_429, %get3A_430] {strides = array<i32>} : memref<128x128xf32, #tpu.memory_space<vmem>>, vector<1x16xf32>,
        %get3A_432 = vector.shape_cast %get3A_431 : vector<1x16xf32> to vector<16xf32>
        %add3A_433 = arith.addf %add3A_329, %get3A_432 : vector<16xf32>
        %mul3A_434 = arith.constant 4 : i32
        %mul3A_435 = arith.muli %mul3A_434, %scan3A_244 : i32
        %add3A_436 = arith.constant 1 : i32
        %add3A_437 = arith.addi %mul3A_435, %add3A_436 : i32
        %get3A_438 = arith.constant 0 : i32
        %get3A_439 = arith.constant 0 : i32
        %get3A_440 = tpu.memref_slice %arg6[%scan3A_166, %get3A_438, %get3A_439] : memref<4x128x128xf32, #tpu.memory_space<vmem>> -> memref<1x128x128xf32, #tpu.memory_space<vmem>>
        %get3A_441 = tpu.memref_squeeze %get3A_440 : memref<1x128x128xf32, #tpu.memory_space<vmem>> -> memref<128x128xf32, #tpu.memory_space<vmem>>
        %get3A_442 = arith.index_cast %add3A_437 : i32 to index
        %get3A_443 = arith.constant 96 : index
        %get3A_444 = tpu.vector_load %get3A_441[%get3A_442, %get3A_443] {strides = array<i32>} : memref<128x128xf32, #tpu.memory_space<vmem>>, vector<1x16xf32>,
        %get3A_445 = vector.shape_cast %get3A_444 : vector<1x16xf32> to vector<16xf32>
        %add3A_446 = arith.addf %add3A_342, %get3A_445 : vector<16xf32>
        %mul3A_447 = arith.constant 4 : i32
        %mul3A_448 = arith.muli %mul3A_447, %scan3A_244 : i32
        %add3A_449 = arith.constant 1 : i32
        %add3A_450 = arith.addi %mul3A_448, %add3A_449 : i32
        %get3A_451 = arith.constant 0 : i32
        %get3A_452 = arith.constant 0 : i32
        %get3A_453 = tpu.memref_slice %arg6[%scan3A_166, %get3A_451, %get3A_452] : memref<4x128x128xf32, #tpu.memory_space<vmem>> -> memref<1x128x128xf32, #tpu.memory_space<vmem>>
        %get3A_454 = tpu.memref_squeeze %get3A_453 : memref<1x128x128xf32, #tpu.memory_space<vmem>> -> memref<128x128xf32, #tpu.memory_space<vmem>>
        %get3A_455 = arith.index_cast %add3A_450 : i32 to index
        %get3A_456 = arith.constant 112 : index
        %get3A_457 = tpu.vector_load %get3A_454[%get3A_455, %get3A_456] {strides = array<i32>} : memref<128x128xf32, #tpu.memory_space<vmem>>, vector<1x16xf32>,
        %get3A_458 = vector.shape_cast %get3A_457 : vector<1x16xf32> to vector<16xf32>
        %add3A_459 = arith.addf %add3A_355, %get3A_458 : vector<16xf32>
        %mul3A_460 = arith.constant 4 : i32
        %mul3A_461 = arith.muli %mul3A_460, %scan3A_244 : i32
        %add3A_462 = arith.constant 2 : i32
        %add3A_463 = arith.addi %mul3A_461, %add3A_462 : i32
        %get3A_464 = arith.constant 0 : i32
        %get3A_465 = arith.constant 0 : i32
        %get3A_466 = tpu.memref_slice %arg6[%scan3A_166, %get3A_464, %get3A_465] : memref<4x128x128xf32, #tpu.memory_space<vmem>> -> memref<1x128x128xf32, #tpu.memory_space<vmem>>
        %get3A_467 = tpu.memref_squeeze %get3A_466 : memref<1x128x128xf32, #tpu.memory_space<vmem>> -> memref<128x128xf32, #tpu.memory_space<vmem>>
        %get3A_468 = arith.index_cast %add3A_463 : i32 to index
        %get3A_469 = arith.constant 0 : index
        %get3A_470 = tpu.vector_load %get3A_467[%get3A_468, %get3A_469] {strides = array<i32>} : memref<128x128xf32, #tpu.memory_space<vmem>>, vector<1x16xf32>,
        %get3A_471 = vector.shape_cast %get3A_470 : vector<1x16xf32> to vector<16xf32>
        %add3A_472 = arith.addf %add3A_368, %get3A_471 : vector<16xf32>
        %mul3A_473 = arith.constant 4 : i32
        %mul3A_474 = arith.muli %mul3A_473, %scan3A_244 : i32
        %add3A_475 = arith.constant 2 : i32
        %add3A_476 = arith.addi %mul3A_474, %add3A_475 : i32
        %get3A_477 = arith.constant 0 : i32
        %get3A_478 = arith.constant 0 : i32
        %get3A_479 = tpu.memref_slice %arg6[%scan3A_166, %get3A_477, %get3A_478] : memref<4x128x128xf32, #tpu.memory_space<vmem>> -> memref<1x128x128xf32, #tpu.memory_space<vmem>>
        %get3A_480 = tpu.memref_squeeze %get3A_479 : memref<1x128x128xf32, #tpu.memory_space<vmem>> -> memref<128x128xf32, #tpu.memory_space<vmem>>
        %get3A_481 = arith.index_cast %add3A_476 : i32 to index
        %get3A_482 = arith.constant 16 : index
        %get3A_483 = tpu.vector_load %get3A_480[%get3A_481, %get3A_482] {strides = array<i32>} : memref<128x128xf32, #tpu.memory_space<vmem>>, vector<1x16xf32>,
        %get3A_484 = vector.shape_cast %get3A_483 : vector<1x16xf32> to vector<16xf32>
        %add3A_485 = arith.addf %add3A_381, %get3A_484 : vector<16xf32>
        %mul3A_486 = arith.constant 4 : i32
        %mul3A_487 = arith.muli %mul3A_486, %scan3A_244 : i32
        %add3A_488 = arith.constant 2 : i32
        %add3A_489 = arith.addi %mul3A_487, %add3A_488 : i32
        %get3A_490 = arith.constant 0 : i32
        %get3A_491 = arith.constant 0 : i32
        %get3A_492 = tpu.memref_slice %arg6[%scan3A_166, %get3A_490, %get3A_491] : memref<4x128x128xf32, #tpu.memory_space<vmem>> -> memref<1x128x128xf32, #tpu.memory_space<vmem>>
        %get3A_493 = tpu.memref_squeeze %get3A_492 : memref<1x128x128xf32, #tpu.memory_space<vmem>> -> memref<128x128xf32, #tpu.memory_space<vmem>>
        %get3A_494 = arith.index_cast %add3A_489 : i32 to index
        %get3A_495 = arith.constant 32 : index
        %get3A_496 = tpu.vector_load %get3A_493[%get3A_494, %get3A_495] {strides = array<i32>} : memref<128x128xf32, #tpu.memory_space<vmem>>, vector<1x16xf32>,
        %get3A_497 = vector.shape_cast %get3A_496 : vector<1x16xf32> to vector<16xf32>
        %add3A_498 = arith.addf %add3A_394, %get3A_497 : vector<16xf32>
        %mul3A_499 = arith.constant 4 : i32
        %mul3A_500 = arith.muli %mul3A_499, %scan3A_244 : i32
        %add3A_501 = arith.constant 2 : i32
        %add3A_502 = arith.addi %mul3A_500, %add3A_501 : i32
        %get3A_503 = arith.constant 0 : i32
        %get3A_504 = arith.constant 0 : i32
        %get3A_505 = tpu.memref_slice %arg6[%scan3A_166, %get3A_503, %get3A_504] : memref<4x128x128xf32, #tpu.memory_space<vmem>> -> memref<1x128x128xf32, #tpu.memory_space<vmem>>
        %get3A_506 = tpu.memref_squeeze %get3A_505 : memref<1x128x128xf32, #tpu.memory_space<vmem>> -> memref<128x128xf32, #tpu.memory_space<vmem>>
        %get3A_507 = arith.index_cast %add3A_502 : i32 to index
        %get3A_508 = arith.constant 48 : index
        %get3A_509 = tpu.vector_load %get3A_506[%get3A_507, %get3A_508] {strides = array<i32>} : memref<128x128xf32, #tpu.memory_space<vmem>>, vector<1x16xf32>,
        %get3A_510 = vector.shape_cast %get3A_509 : vector<1x16xf32> to vector<16xf32>
        %add3A_511 = arith.addf %add3A_407, %get3A_510 : vector<16xf32>
        %mul3A_512 = arith.constant 4 : i32
        %mul3A_513 = arith.muli %mul3A_512, %scan3A_244 : i32
        %add3A_514 = arith.constant 2 : i32
        %add3A_515 = arith.addi %mul3A_513, %add3A_514 : i32
        %get3A_516 = arith.constant 0 : i32
        %get3A_517 = arith.constant 0 : i32
        %get3A_518 = tpu.memref_slice %arg6[%scan3A_166, %get3A_516, %get3A_517] : memref<4x128x128xf32, #tpu.memory_space<vmem>> -> memref<1x128x128xf32, #tpu.memory_space<vmem>>
        %get3A_519 = tpu.memref_squeeze %get3A_518 : memref<1x128x128xf32, #tpu.memory_space<vmem>> -> memref<128x128xf32, #tpu.memory_space<vmem>>
        %get3A_520 = arith.index_cast %add3A_515 : i32 to index
        %get3A_521 = arith.constant 64 : index
        %get3A_522 = tpu.vector_load %get3A_519[%get3A_520, %get3A_521] {strides = array<i32>} : memref<128x128xf32, #tpu.memory_space<vmem>>, vector<1x16xf32>,
        %get3A_523 = vector.shape_cast %get3A_522 : vector<1x16xf32> to vector<16xf32>
        %add3A_524 = arith.addf %add3A_420, %get3A_523 : vector<16xf32>
        %mul3A_525 = arith.constant 4 : i32
        %mul3A_526 = arith.muli %mul3A_525, %scan3A_244 : i32
        %add3A_527 = arith.constant 2 : i32
        %add3A_528 = arith.addi %mul3A_526, %add3A_527 : i32
        %get3A_529 = arith.constant 0 : i32
        %get3A_530 = arith.constant 0 : i32
        %get3A_531 = tpu.memref_slice %arg6[%scan3A_166, %get3A_529, %get3A_530] : memref<4x128x128xf32, #tpu.memory_space<vmem>> -> memref<1x128x128xf32, #tpu.memory_space<vmem>>
        %get3A_532 = tpu.memref_squeeze %get3A_531 : memref<1x128x128xf32, #tpu.memory_space<vmem>> -> memref<128x128xf32, #tpu.memory_space<vmem>>
        %get3A_533 = arith.index_cast %add3A_528 : i32 to index
        %get3A_534 = arith.constant 80 : index
        %get3A_535 = tpu.vector_load %get3A_532[%get3A_533, %get3A_534] {strides = array<i32>} : memref<128x128xf32, #tpu.memory_space<vmem>>, vector<1x16xf32>,
        %get3A_536 = vector.shape_cast %get3A_535 : vector<1x16xf32> to vector<16xf32>
        %add3A_537 = arith.addf %add3A_433, %get3A_536 : vector<16xf32>
        %mul3A_538 = arith.constant 4 : i32
        %mul3A_539 = arith.muli %mul3A_538, %scan3A_244 : i32
        %add3A_540 = arith.constant 2 : i32
        %add3A_541 = arith.addi %mul3A_539, %add3A_540 : i32
        %get3A_542 = arith.constant 0 : i32
        %get3A_543 = arith.constant 0 : i32
        %get3A_544 = tpu.memref_slice %arg6[%scan3A_166, %get3A_542, %get3A_543] : memref<4x128x128xf32, #tpu.memory_space<vmem>> -> memref<1x128x128xf32, #tpu.memory_space<vmem>>
        %get3A_545 = tpu.memref_squeeze %get3A_544 : memref<1x128x128xf32, #tpu.memory_space<vmem>> -> memref<128x128xf32, #tpu.memory_space<vmem>>
        %get3A_546 = arith.index_cast %add3A_541 : i32 to index
        %get3A_547 = arith.constant 96 : index
        %get3A_548 = tpu.vector_load %get3A_545[%get3A_546, %get3A_547] {strides = array<i32>} : memref<128x128xf32, #tpu.memory_space<vmem>>, vector<1x16xf32>,
        %get3A_549 = vector.shape_cast %get3A_548 : vector<1x16xf32> to vector<16xf32>
        %add3A_550 = arith.addf %add3A_446, %get3A_549 : vector<16xf32>
        %mul3A_551 = arith.constant 4 : i32
        %mul3A_552 = arith.muli %mul3A_551, %scan3A_244 : i32
        %add3A_553 = arith.constant 2 : i32
        %add3A_554 = arith.addi %mul3A_552, %add3A_553 : i32
        %get3A_555 = arith.constant 0 : i32
        %get3A_556 = arith.constant 0 : i32
        %get3A_557 = tpu.memref_slice %arg6[%scan3A_166, %get3A_555, %get3A_556] : memref<4x128x128xf32, #tpu.memory_space<vmem>> -> memref<1x128x128xf32, #tpu.memory_space<vmem>>
        %get3A_558 = tpu.memref_squeeze %get3A_557 : memref<1x128x128xf32, #tpu.memory_space<vmem>> -> memref<128x128xf32, #tpu.memory_space<vmem>>
        %get3A_559 = arith.index_cast %add3A_554 : i32 to index
        %get3A_560 = arith.constant 112 : index
        %get3A_561 = tpu.vector_load %get3A_558[%get3A_559, %get3A_560] {strides = array<i32>} : memref<128x128xf32, #tpu.memory_space<vmem>>, vector<1x16xf32>,
        %get3A_562 = vector.shape_cast %get3A_561 : vector<1x16xf32> to vector<16xf32>
        %add3A_563 = arith.addf %add3A_459, %get3A_562 : vector<16xf32>
        %mul3A_564 = arith.constant 4 : i32
        %mul3A_565 = arith.muli %mul3A_564, %scan3A_244 : i32
        %add3A_566 = arith.constant 3 : i32
        %add3A_567 = arith.addi %mul3A_565, %add3A_566 : i32
        %get3A_568 = arith.constant 0 : i32
        %get3A_569 = arith.constant 0 : i32
        %get3A_570 = tpu.memref_slice %arg6[%scan3A_166, %get3A_568, %get3A_569] : memref<4x128x128xf32, #tpu.memory_space<vmem>> -> memref<1x128x128xf32, #tpu.memory_space<vmem>>
        %get3A_571 = tpu.memref_squeeze %get3A_570 : memref<1x128x128xf32, #tpu.memory_space<vmem>> -> memref<128x128xf32, #tpu.memory_space<vmem>>
        %get3A_572 = arith.index_cast %add3A_567 : i32 to index
        %get3A_573 = arith.constant 0 : index
        %get3A_574 = tpu.vector_load %get3A_571[%get3A_572, %get3A_573] {strides = array<i32>} : memref<128x128xf32, #tpu.memory_space<vmem>>, vector<1x16xf32>,
        %get3A_575 = vector.shape_cast %get3A_574 : vector<1x16xf32> to vector<16xf32>
        %add3A_576 = arith.addf %add3A_472, %get3A_575 : vector<16xf32>
        %mul3A_577 = arith.constant 4 : i32
        %mul3A_578 = arith.muli %mul3A_577, %scan3A_244 : i32
        %add3A_579 = arith.constant 3 : i32
        %add3A_580 = arith.addi %mul3A_578, %add3A_579 : i32
        %get3A_581 = arith.constant 0 : i32
        %get3A_582 = arith.constant 0 : i32
        %get3A_583 = tpu.memref_slice %arg6[%scan3A_166, %get3A_581, %get3A_582] : memref<4x128x128xf32, #tpu.memory_space<vmem>> -> memref<1x128x128xf32, #tpu.memory_space<vmem>>
        %get3A_584 = tpu.memref_squeeze %get3A_583 : memref<1x128x128xf32, #tpu.memory_space<vmem>> -> memref<128x128xf32, #tpu.memory_space<vmem>>
        %get3A_585 = arith.index_cast %add3A_580 : i32 to index
        %get3A_586 = arith.constant 16 : index
        %get3A_587 = tpu.vector_load %get3A_584[%get3A_585, %get3A_586] {strides = array<i32>} : memref<128x128xf32, #tpu.memory_space<vmem>>, vector<1x16xf32>,
        %get3A_588 = vector.shape_cast %get3A_587 : vector<1x16xf32> to vector<16xf32>
        %add3A_589 = arith.addf %add3A_485, %get3A_588 : vector<16xf32>
        %mul3A_590 = arith.constant 4 : i32
        %mul3A_591 = arith.muli %mul3A_590, %scan3A_244 : i32
        %add3A_592 = arith.constant 3 : i32
        %add3A_593 = arith.addi %mul3A_591, %add3A_592 : i32
        %get3A_594 = arith.constant 0 : i32
        %get3A_595 = arith.constant 0 : i32
        %get3A_596 = tpu.memref_slice %arg6[%scan3A_166, %get3A_594, %get3A_595] : memref<4x128x128xf32, #tpu.memory_space<vmem>> -> memref<1x128x128xf32, #tpu.memory_space<vmem>>
        %get3A_597 = tpu.memref_squeeze %get3A_596 : memref<1x128x128xf32, #tpu.memory_space<vmem>> -> memref<128x128xf32, #tpu.memory_space<vmem>>
        %get3A_598 = arith.index_cast %add3A_593 : i32 to index
        %get3A_599 = arith.constant 32 : index
        %get3A_600 = tpu.vector_load %get3A_597[%get3A_598, %get3A_599] {strides = array<i32>} : memref<128x128xf32, #tpu.memory_space<vmem>>, vector<1x16xf32>,
        %get3A_601 = vector.shape_cast %get3A_600 : vector<1x16xf32> to vector<16xf32>
        %add3A_602 = arith.addf %add3A_498, %get3A_601 : vector<16xf32>
        %mul3A_603 = arith.constant 4 : i32
        %mul3A_604 = arith.muli %mul3A_603, %scan3A_244 : i32
        %add3A_605 = arith.constant 3 : i32
        %add3A_606 = arith.addi %mul3A_604, %add3A_605 : i32
        %get3A_607 = arith.constant 0 : i32
        %get3A_608 = arith.constant 0 : i32
        %get3A_609 = tpu.memref_slice %arg6[%scan3A_166, %get3A_607, %get3A_608] : memref<4x128x128xf32, #tpu.memory_space<vmem>> -> memref<1x128x128xf32, #tpu.memory_space<vmem>>
        %get3A_610 = tpu.memref_squeeze %get3A_609 : memref<1x128x128xf32, #tpu.memory_space<vmem>> -> memref<128x128xf32, #tpu.memory_space<vmem>>
        %get3A_611 = arith.index_cast %add3A_606 : i32 to index
        %get3A_612 = arith.constant 48 : index
        %get3A_613 = tpu.vector_load %get3A_610[%get3A_611, %get3A_612] {strides = array<i32>} : memref<128x128xf32, #tpu.memory_space<vmem>>, vector<1x16xf32>,
        %get3A_614 = vector.shape_cast %get3A_613 : vector<1x16xf32> to vector<16xf32>
        %add3A_615 = arith.addf %add3A_511, %get3A_614 : vector<16xf32>
        %mul3A_616 = arith.constant 4 : i32
        %mul3A_617 = arith.muli %mul3A_616, %scan3A_244 : i32
        %add3A_618 = arith.constant 3 : i32
        %add3A_619 = arith.addi %mul3A_617, %add3A_618 : i32
        %get3A_620 = arith.constant 0 : i32
        %get3A_621 = arith.constant 0 : i32
        %get3A_622 = tpu.memref_slice %arg6[%scan3A_166, %get3A_620, %get3A_621] : memref<4x128x128xf32, #tpu.memory_space<vmem>> -> memref<1x128x128xf32, #tpu.memory_space<vmem>>
        %get3A_623 = tpu.memref_squeeze %get3A_622 : memref<1x128x128xf32, #tpu.memory_space<vmem>> -> memref<128x128xf32, #tpu.memory_space<vmem>>
        %get3A_624 = arith.index_cast %add3A_619 : i32 to index
        %get3A_625 = arith.constant 64 : index
        %get3A_626 = tpu.vector_load %get3A_623[%get3A_624, %get3A_625] {strides = array<i32>} : memref<128x128xf32, #tpu.memory_space<vmem>>, vector<1x16xf32>,
        %get3A_627 = vector.shape_cast %get3A_626 : vector<1x16xf32> to vector<16xf32>
        %add3A_628 = arith.addf %add3A_524, %get3A_627 : vector<16xf32>
        %mul3A_629 = arith.constant 4 : i32
        %mul3A_630 = arith.muli %mul3A_629, %scan3A_244 : i32
        %add3A_631 = arith.constant 3 : i32
        %add3A_632 = arith.addi %mul3A_630, %add3A_631 : i32
        %get3A_633 = arith.constant 0 : i32
        %get3A_634 = arith.constant 0 : i32
        %get3A_635 = tpu.memref_slice %arg6[%scan3A_166, %get3A_633, %get3A_634] : memref<4x128x128xf32, #tpu.memory_space<vmem>> -> memref<1x128x128xf32, #tpu.memory_space<vmem>>
        %get3A_636 = tpu.memref_squeeze %get3A_635 : memref<1x128x128xf32, #tpu.memory_space<vmem>> -> memref<128x128xf32, #tpu.memory_space<vmem>>
        %get3A_637 = arith.index_cast %add3A_632 : i32 to index
        %get3A_638 = arith.constant 80 : index
        %get3A_639 = tpu.vector_load %get3A_636[%get3A_637, %get3A_638] {strides = array<i32>} : memref<128x128xf32, #tpu.memory_space<vmem>>, vector<1x16xf32>,
        %get3A_640 = vector.shape_cast %get3A_639 : vector<1x16xf32> to vector<16xf32>
        %add3A_641 = arith.addf %add3A_537, %get3A_640 : vector<16xf32>
        %mul3A_642 = arith.constant 4 : i32
        %mul3A_643 = arith.muli %mul3A_642, %scan3A_244 : i32
        %add3A_644 = arith.constant 3 : i32
        %add3A_645 = arith.addi %mul3A_643, %add3A_644 : i32
        %get3A_646 = arith.constant 0 : i32
        %get3A_647 = arith.constant 0 : i32
        %get3A_648 = tpu.memref_slice %arg6[%scan3A_166, %get3A_646, %get3A_647] : memref<4x128x128xf32, #tpu.memory_space<vmem>> -> memref<1x128x128xf32, #tpu.memory_space<vmem>>
        %get3A_649 = tpu.memref_squeeze %get3A_648 : memref<1x128x128xf32, #tpu.memory_space<vmem>> -> memref<128x128xf32, #tpu.memory_space<vmem>>
        %get3A_650 = arith.index_cast %add3A_645 : i32 to index
        %get3A_651 = arith.constant 96 : index
        %get3A_652 = tpu.vector_load %get3A_649[%get3A_650, %get3A_651] {strides = array<i32>} : memref<128x128xf32, #tpu.memory_space<vmem>>, vector<1x16xf32>,
        %get3A_653 = vector.shape_cast %get3A_652 : vector<1x16xf32> to vector<16xf32>
        %add3A_654 = arith.addf %add3A_550, %get3A_653 : vector<16xf32>
        %mul3A_655 = arith.constant 4 : i32
        %mul3A_656 = arith.muli %mul3A_655, %scan3A_244 : i32
        %add3A_657 = arith.constant 3 : i32
        %add3A_658 = arith.addi %mul3A_656, %add3A_657 : i32
        %get3A_659 = arith.constant 0 : i32
        %get3A_660 = arith.constant 0 : i32
        %get3A_661 = tpu.memref_slice %arg6[%scan3A_166, %get3A_659, %get3A_660] : memref<4x128x128xf32, #tpu.memory_space<vmem>> -> memref<1x128x128xf32, #tpu.memory_space<vmem>>
        %get3A_662 = tpu.memref_squeeze %get3A_661 : memref<1x128x128xf32, #tpu.memory_space<vmem>> -> memref<128x128xf32, #tpu.memory_space<vmem>>
        %get3A_663 = arith.index_cast %add3A_658 : i32 to index
        %get3A_664 = arith.constant 112 : index
        %get3A_665 = tpu.vector_load %get3A_662[%get3A_663, %get3A_664] {strides = array<i32>} : memref<128x128xf32, #tpu.memory_space<vmem>>, vector<1x16xf32>,
        %get3A_666 = vector.shape_cast %get3A_665 : vector<1x16xf32> to vector<16xf32>
        %add3A_667 = arith.addf %add3A_563, %get3A_666 : vector<16xf32>
        scf.yield %add3A_576, %add3A_589, %add3A_602, %add3A_615, %add3A_628, %add3A_641, %add3A_654, %add3A_667 : vector<16xf32>, vector<16xf32>, vector<16xf32>, vector<16xf32>, vector<16xf32>, vector<16xf32>, vector<16xf32>, vector<16xf32>
      }
      %scan3A_172 = arith.constant 32 : i32
      %dma_wait3A_173 = arith.constant 3 : i32
      %dma_wait3A_174 = arith.constant 0 : i32
      %dma_wait3A_175 = arith.constant 0 : i32
      %dma_wait3A_176 = tpu.memref_slice %arg6[%dma_wait3A_173, %dma_wait3A_174, %dma_wait3A_175] : memref<4x128x128xf32, #tpu.memory_space<vmem>> -> memref<1x72x128xf32, #tpu.memory_space<vmem>>
      %dma_wait3A_177 = tpu.memref_squeeze %dma_wait3A_176 : memref<1x72x128xf32, #tpu.memory_space<vmem>> -> memref<72x128xf32, #tpu.memory_space<vmem>>
      %dma_wait3A_178 = arith.constant 0 : i32
      %dma_wait3A_179 = arith.constant 0 : i32
      %dma_wait3A_180 = tpu.memref_slice %arg3[%dma_wait3A_178, %dma_wait3A_179] : memref<100000x128xf32, #tpu.memory_space<hbm>> -> memref<72x128xf32, #tpu.memory_space<hbm>>
      %dma_wait3A_181 = arith.constant 0 : i32
      %dma_wait3A_182 = arith.constant 0 : i32
      %dma_wait3A_183 = tpu.memref_slice %arg6[%dma_wait3A_173, %dma_wait3A_181, %dma_wait3A_182] : memref<4x128x128xf32, #tpu.memory_space<vmem>> -> memref<1x72x128xf32, #tpu.memory_space<vmem>>
      %dma_wait3A_184 = tpu.memref_squeeze %dma_wait3A_183 : memref<1x72x128xf32, #tpu.memory_space<vmem>> -> memref<72x128xf32, #tpu.memory_space<vmem>>
      %dma_wait3A_185 = arith.constant 0 : i32
      %dma_wait3A_186 = arith.constant 0 : i32
      %dma_wait3A_187 = tpu.memref_slice %arg3[%dma_wait3A_185, %dma_wait3A_186] : memref<100000x128xf32, #tpu.memory_space<hbm>> -> memref<72x128xf32, #tpu.memory_space<hbm>>
      tpu.wait_dma2 semaphore(%arg11 : memref<!tpu.dma_semaphore, #tpu.memory_space<semaphore_mem>>) src(%dma_wait3A_187 : memref<72x128xf32, #tpu.memory_space<hbm>>) dst(%dma_wait3A_184 : memref<72x128xf32, #tpu.memory_space<vmem>>)
      %lt3A_188 = arith.constant 63 : i32
      %lt3A_189 = arith.cmpi slt, %scan3A_52, %lt3A_188 : i32
      %convert_element_type3A_190 = arith.extui %lt3A_189 : i1 to i32
      %cond3A_191 = arith.constant 0 : i32
      %cond3A_192 = arith.cmpi ne, %convert_element_type3A_190, %cond3A_191 : i32
      scf.if %cond3A_192 {
        %add3A_244 = arith.constant 1 : i32
        %add3A_245 = arith.addi %scan3A_52, %add3A_244 : i32
        %mul3A_246 = arith.constant 2 : i32
        %mul3A_247 = arith.muli %mul3A_246, %add3A_245 : i32
        %add3A_248 = arith.constant 1 : i32
        %add3A_249 = arith.addi %mul3A_247, %add3A_248 : i32
        %mul3A_250 = arith.constant 200 : i32
        %mul3A_251 = arith.muli %add3A_249, %mul3A_250 : i32
        %add3A_252 = arith.constant 128 : i32
        %add3A_253 = arith.addi %mul3A_251, %add3A_252 : i32
        %dma_start3A_254 = arith.constant 3 : i32
        %dma_start3A_255 = arith.constant 0 : i32
        %dma_start3A_256 = arith.constant 0 : i32
        %dma_start3A_257 = tpu.memref_slice %arg6[%dma_start3A_254, %dma_start3A_255, %dma_start3A_256] : memref<4x128x128xf32, #tpu.memory_space<vmem>> -> memref<1x72x128xf32, #tpu.memory_space<vmem>>
        %dma_start3A_258 = tpu.memref_squeeze %dma_start3A_257 : memref<1x72x128xf32, #tpu.memory_space<vmem>> -> memref<72x128xf32, #tpu.memory_space<vmem>>
        %dma_start3A_259 = tpu.memref_slice %arg5[%add3A_253] : memref<25600xi32, #tpu.memory_space<vmem>> -> memref<72xi32, #tpu.memory_space<vmem>>
        %dma_start3A_260 = arith.constant 0 : i32
        %dma_start3A_261 = arith.constant 0 : i32
        %dma_start3A_262 = tpu.memref_slice %arg3[%dma_start3A_260, %dma_start3A_261] : memref<100000x128xf32, #tpu.memory_space<hbm>> -> memref<100000x128xf32, #tpu.memory_space<hbm>>
        tpu.enqueue_indirect_dma source(%dma_start3A_262 : memref<100000x128xf32, #tpu.memory_space<hbm>>) target(%dma_start3A_258 : memref<72x128xf32, #tpu.memory_space<vmem>>) offsets(%dma_start3A_259 : memref<72xi32, #tpu.memory_space<vmem>>) semaphore(%arg11 : memref<!tpu.dma_semaphore, #tpu.memory_space<semaphore_mem>>)
      } else {
      }
      %scan3A_193 = arith.constant 3 : i32
      %scan3A_194 = arith.constant 0 : i32
      %scan3A_195 = arith.constant 18 : i32
      %scan3A_196 = arith.addi %scan3A_194, %scan3A_195 : i32
      %scan3A_197 = arith.constant 1 : i32
      %scan3A_198:8 = scf.for %scan3A_244 = %scan3A_194 to %scan3A_196 step %scan3A_197 iter_args(%scan3A_245 = %scan3A_171#0, %scan3A_246 = %scan3A_171#1, %scan3A_247 = %scan3A_171#2, %scan3A_248 = %scan3A_171#3, %scan3A_249 = %scan3A_171#4, %scan3A_250 = %scan3A_171#5, %scan3A_251 = %scan3A_171#6, %scan3A_252 = %scan3A_171#7) -> (vector<16xf32>, vector<16xf32>, vector<16xf32>, vector<16xf32>, vector<16xf32>, vector<16xf32>, vector<16xf32>, vector<16xf32>)  : i32 {
        %mul3A_253 = arith.constant 4 : i32
        %mul3A_254 = arith.muli %mul3A_253, %scan3A_244 : i32
        %add3A_255 = arith.constant 0 : i32
        %add3A_256 = arith.addi %mul3A_254, %add3A_255 : i32
        %get3A = arith.constant 0 : i32
        %get3A_257 = arith.constant 0 : i32
        %get3A_258 = tpu.memref_slice %arg6[%scan3A_193, %get3A, %get3A_257] : memref<4x128x128xf32, #tpu.memory_space<vmem>> -> memref<1x128x128xf32, #tpu.memory_space<vmem>>
        %get3A_259 = tpu.memref_squeeze %get3A_258 : memref<1x128x128xf32, #tpu.memory_space<vmem>> -> memref<128x128xf32, #tpu.memory_space<vmem>>
        %get3A_260 = arith.index_cast %add3A_256 : i32 to index
        %get3A_261 = arith.constant 0 : index
        %get3A_262 = tpu.vector_load %get3A_259[%get3A_260, %get3A_261] {strides = array<i32>} : memref<128x128xf32, #tpu.memory_space<vmem>>, vector<1x16xf32>,
        %get3A_263 = vector.shape_cast %get3A_262 : vector<1x16xf32> to vector<16xf32>
        %add3A_264 = arith.addf %scan3A_245, %get3A_263 : vector<16xf32>
        %mul3A_265 = arith.constant 4 : i32
        %mul3A_266 = arith.muli %mul3A_265, %scan3A_244 : i32
        %add3A_267 = arith.constant 0 : i32
        %add3A_268 = arith.addi %mul3A_266, %add3A_267 : i32
        %get3A_269 = arith.constant 0 : i32
        %get3A_270 = arith.constant 0 : i32
        %get3A_271 = tpu.memref_slice %arg6[%scan3A_193, %get3A_269, %get3A_270] : memref<4x128x128xf32, #tpu.memory_space<vmem>> -> memref<1x128x128xf32, #tpu.memory_space<vmem>>
        %get3A_272 = tpu.memref_squeeze %get3A_271 : memref<1x128x128xf32, #tpu.memory_space<vmem>> -> memref<128x128xf32, #tpu.memory_space<vmem>>
        %get3A_273 = arith.index_cast %add3A_268 : i32 to index
        %get3A_274 = arith.constant 16 : index
        %get3A_275 = tpu.vector_load %get3A_272[%get3A_273, %get3A_274] {strides = array<i32>} : memref<128x128xf32, #tpu.memory_space<vmem>>, vector<1x16xf32>,
        %get3A_276 = vector.shape_cast %get3A_275 : vector<1x16xf32> to vector<16xf32>
        %add3A_277 = arith.addf %scan3A_246, %get3A_276 : vector<16xf32>
        %mul3A_278 = arith.constant 4 : i32
        %mul3A_279 = arith.muli %mul3A_278, %scan3A_244 : i32
        %add3A_280 = arith.constant 0 : i32
        %add3A_281 = arith.addi %mul3A_279, %add3A_280 : i32
        %get3A_282 = arith.constant 0 : i32
        %get3A_283 = arith.constant 0 : i32
        %get3A_284 = tpu.memref_slice %arg6[%scan3A_193, %get3A_282, %get3A_283] : memref<4x128x128xf32, #tpu.memory_space<vmem>> -> memref<1x128x128xf32, #tpu.memory_space<vmem>>
        %get3A_285 = tpu.memref_squeeze %get3A_284 : memref<1x128x128xf32, #tpu.memory_space<vmem>> -> memref<128x128xf32, #tpu.memory_space<vmem>>
        %get3A_286 = arith.index_cast %add3A_281 : i32 to index
        %get3A_287 = arith.constant 32 : index
        %get3A_288 = tpu.vector_load %get3A_285[%get3A_286, %get3A_287] {strides = array<i32>} : memref<128x128xf32, #tpu.memory_space<vmem>>, vector<1x16xf32>,
        %get3A_289 = vector.shape_cast %get3A_288 : vector<1x16xf32> to vector<16xf32>
        %add3A_290 = arith.addf %scan3A_247, %get3A_289 : vector<16xf32>
        %mul3A_291 = arith.constant 4 : i32
        %mul3A_292 = arith.muli %mul3A_291, %scan3A_244 : i32
        %add3A_293 = arith.constant 0 : i32
        %add3A_294 = arith.addi %mul3A_292, %add3A_293 : i32
        %get3A_295 = arith.constant 0 : i32
        %get3A_296 = arith.constant 0 : i32
        %get3A_297 = tpu.memref_slice %arg6[%scan3A_193, %get3A_295, %get3A_296] : memref<4x128x128xf32, #tpu.memory_space<vmem>> -> memref<1x128x128xf32, #tpu.memory_space<vmem>>
        %get3A_298 = tpu.memref_squeeze %get3A_297 : memref<1x128x128xf32, #tpu.memory_space<vmem>> -> memref<128x128xf32, #tpu.memory_space<vmem>>
        %get3A_299 = arith.index_cast %add3A_294 : i32 to index
        %get3A_300 = arith.constant 48 : index
        %get3A_301 = tpu.vector_load %get3A_298[%get3A_299, %get3A_300] {strides = array<i32>} : memref<128x128xf32, #tpu.memory_space<vmem>>, vector<1x16xf32>,
        %get3A_302 = vector.shape_cast %get3A_301 : vector<1x16xf32> to vector<16xf32>
        %add3A_303 = arith.addf %scan3A_248, %get3A_302 : vector<16xf32>
        %mul3A_304 = arith.constant 4 : i32
        %mul3A_305 = arith.muli %mul3A_304, %scan3A_244 : i32
        %add3A_306 = arith.constant 0 : i32
        %add3A_307 = arith.addi %mul3A_305, %add3A_306 : i32
        %get3A_308 = arith.constant 0 : i32
        %get3A_309 = arith.constant 0 : i32
        %get3A_310 = tpu.memref_slice %arg6[%scan3A_193, %get3A_308, %get3A_309] : memref<4x128x128xf32, #tpu.memory_space<vmem>> -> memref<1x128x128xf32, #tpu.memory_space<vmem>>
        %get3A_311 = tpu.memref_squeeze %get3A_310 : memref<1x128x128xf32, #tpu.memory_space<vmem>> -> memref<128x128xf32, #tpu.memory_space<vmem>>
        %get3A_312 = arith.index_cast %add3A_307 : i32 to index
        %get3A_313 = arith.constant 64 : index
        %get3A_314 = tpu.vector_load %get3A_311[%get3A_312, %get3A_313] {strides = array<i32>} : memref<128x128xf32, #tpu.memory_space<vmem>>, vector<1x16xf32>,
        %get3A_315 = vector.shape_cast %get3A_314 : vector<1x16xf32> to vector<16xf32>
        %add3A_316 = arith.addf %scan3A_249, %get3A_315 : vector<16xf32>
        %mul3A_317 = arith.constant 4 : i32
        %mul3A_318 = arith.muli %mul3A_317, %scan3A_244 : i32
        %add3A_319 = arith.constant 0 : i32
        %add3A_320 = arith.addi %mul3A_318, %add3A_319 : i32
        %get3A_321 = arith.constant 0 : i32
        %get3A_322 = arith.constant 0 : i32
        %get3A_323 = tpu.memref_slice %arg6[%scan3A_193, %get3A_321, %get3A_322] : memref<4x128x128xf32, #tpu.memory_space<vmem>> -> memref<1x128x128xf32, #tpu.memory_space<vmem>>
        %get3A_324 = tpu.memref_squeeze %get3A_323 : memref<1x128x128xf32, #tpu.memory_space<vmem>> -> memref<128x128xf32, #tpu.memory_space<vmem>>
        %get3A_325 = arith.index_cast %add3A_320 : i32 to index
        %get3A_326 = arith.constant 80 : index
        %get3A_327 = tpu.vector_load %get3A_324[%get3A_325, %get3A_326] {strides = array<i32>} : memref<128x128xf32, #tpu.memory_space<vmem>>, vector<1x16xf32>,
        %get3A_328 = vector.shape_cast %get3A_327 : vector<1x16xf32> to vector<16xf32>
        %add3A_329 = arith.addf %scan3A_250, %get3A_328 : vector<16xf32>
        %mul3A_330 = arith.constant 4 : i32
        %mul3A_331 = arith.muli %mul3A_330, %scan3A_244 : i32
        %add3A_332 = arith.constant 0 : i32
        %add3A_333 = arith.addi %mul3A_331, %add3A_332 : i32
        %get3A_334 = arith.constant 0 : i32
        %get3A_335 = arith.constant 0 : i32
        %get3A_336 = tpu.memref_slice %arg6[%scan3A_193, %get3A_334, %get3A_335] : memref<4x128x128xf32, #tpu.memory_space<vmem>> -> memref<1x128x128xf32, #tpu.memory_space<vmem>>
        %get3A_337 = tpu.memref_squeeze %get3A_336 : memref<1x128x128xf32, #tpu.memory_space<vmem>> -> memref<128x128xf32, #tpu.memory_space<vmem>>
        %get3A_338 = arith.index_cast %add3A_333 : i32 to index
        %get3A_339 = arith.constant 96 : index
        %get3A_340 = tpu.vector_load %get3A_337[%get3A_338, %get3A_339] {strides = array<i32>} : memref<128x128xf32, #tpu.memory_space<vmem>>, vector<1x16xf32>,
        %get3A_341 = vector.shape_cast %get3A_340 : vector<1x16xf32> to vector<16xf32>
        %add3A_342 = arith.addf %scan3A_251, %get3A_341 : vector<16xf32>
        %mul3A_343 = arith.constant 4 : i32
        %mul3A_344 = arith.muli %mul3A_343, %scan3A_244 : i32
        %add3A_345 = arith.constant 0 : i32
        %add3A_346 = arith.addi %mul3A_344, %add3A_345 : i32
        %get3A_347 = arith.constant 0 : i32
        %get3A_348 = arith.constant 0 : i32
        %get3A_349 = tpu.memref_slice %arg6[%scan3A_193, %get3A_347, %get3A_348] : memref<4x128x128xf32, #tpu.memory_space<vmem>> -> memref<1x128x128xf32, #tpu.memory_space<vmem>>
        %get3A_350 = tpu.memref_squeeze %get3A_349 : memref<1x128x128xf32, #tpu.memory_space<vmem>> -> memref<128x128xf32, #tpu.memory_space<vmem>>
        %get3A_351 = arith.index_cast %add3A_346 : i32 to index
        %get3A_352 = arith.constant 112 : index
        %get3A_353 = tpu.vector_load %get3A_350[%get3A_351, %get3A_352] {strides = array<i32>} : memref<128x128xf32, #tpu.memory_space<vmem>>, vector<1x16xf32>,
        %get3A_354 = vector.shape_cast %get3A_353 : vector<1x16xf32> to vector<16xf32>
        %add3A_355 = arith.addf %scan3A_252, %get3A_354 : vector<16xf32>
        %mul3A_356 = arith.constant 4 : i32
        %mul3A_357 = arith.muli %mul3A_356, %scan3A_244 : i32
        %add3A_358 = arith.constant 1 : i32
        %add3A_359 = arith.addi %mul3A_357, %add3A_358 : i32
        %get3A_360 = arith.constant 0 : i32
        %get3A_361 = arith.constant 0 : i32
        %get3A_362 = tpu.memref_slice %arg6[%scan3A_193, %get3A_360, %get3A_361] : memref<4x128x128xf32, #tpu.memory_space<vmem>> -> memref<1x128x128xf32, #tpu.memory_space<vmem>>
        %get3A_363 = tpu.memref_squeeze %get3A_362 : memref<1x128x128xf32, #tpu.memory_space<vmem>> -> memref<128x128xf32, #tpu.memory_space<vmem>>
        %get3A_364 = arith.index_cast %add3A_359 : i32 to index
        %get3A_365 = arith.constant 0 : index
        %get3A_366 = tpu.vector_load %get3A_363[%get3A_364, %get3A_365] {strides = array<i32>} : memref<128x128xf32, #tpu.memory_space<vmem>>, vector<1x16xf32>,
        %get3A_367 = vector.shape_cast %get3A_366 : vector<1x16xf32> to vector<16xf32>
        %add3A_368 = arith.addf %add3A_264, %get3A_367 : vector<16xf32>
        %mul3A_369 = arith.constant 4 : i32
        %mul3A_370 = arith.muli %mul3A_369, %scan3A_244 : i32
        %add3A_371 = arith.constant 1 : i32
        %add3A_372 = arith.addi %mul3A_370, %add3A_371 : i32
        %get3A_373 = arith.constant 0 : i32
        %get3A_374 = arith.constant 0 : i32
        %get3A_375 = tpu.memref_slice %arg6[%scan3A_193, %get3A_373, %get3A_374] : memref<4x128x128xf32, #tpu.memory_space<vmem>> -> memref<1x128x128xf32, #tpu.memory_space<vmem>>
        %get3A_376 = tpu.memref_squeeze %get3A_375 : memref<1x128x128xf32, #tpu.memory_space<vmem>> -> memref<128x128xf32, #tpu.memory_space<vmem>>
        %get3A_377 = arith.index_cast %add3A_372 : i32 to index
        %get3A_378 = arith.constant 16 : index
        %get3A_379 = tpu.vector_load %get3A_376[%get3A_377, %get3A_378] {strides = array<i32>} : memref<128x128xf32, #tpu.memory_space<vmem>>, vector<1x16xf32>,
        %get3A_380 = vector.shape_cast %get3A_379 : vector<1x16xf32> to vector<16xf32>
        %add3A_381 = arith.addf %add3A_277, %get3A_380 : vector<16xf32>
        %mul3A_382 = arith.constant 4 : i32
        %mul3A_383 = arith.muli %mul3A_382, %scan3A_244 : i32
        %add3A_384 = arith.constant 1 : i32
        %add3A_385 = arith.addi %mul3A_383, %add3A_384 : i32
        %get3A_386 = arith.constant 0 : i32
        %get3A_387 = arith.constant 0 : i32
        %get3A_388 = tpu.memref_slice %arg6[%scan3A_193, %get3A_386, %get3A_387] : memref<4x128x128xf32, #tpu.memory_space<vmem>> -> memref<1x128x128xf32, #tpu.memory_space<vmem>>
        %get3A_389 = tpu.memref_squeeze %get3A_388 : memref<1x128x128xf32, #tpu.memory_space<vmem>> -> memref<128x128xf32, #tpu.memory_space<vmem>>
        %get3A_390 = arith.index_cast %add3A_385 : i32 to index
        %get3A_391 = arith.constant 32 : index
        %get3A_392 = tpu.vector_load %get3A_389[%get3A_390, %get3A_391] {strides = array<i32>} : memref<128x128xf32, #tpu.memory_space<vmem>>, vector<1x16xf32>,
        %get3A_393 = vector.shape_cast %get3A_392 : vector<1x16xf32> to vector<16xf32>
        %add3A_394 = arith.addf %add3A_290, %get3A_393 : vector<16xf32>
        %mul3A_395 = arith.constant 4 : i32
        %mul3A_396 = arith.muli %mul3A_395, %scan3A_244 : i32
        %add3A_397 = arith.constant 1 : i32
        %add3A_398 = arith.addi %mul3A_396, %add3A_397 : i32
        %get3A_399 = arith.constant 0 : i32
        %get3A_400 = arith.constant 0 : i32
        %get3A_401 = tpu.memref_slice %arg6[%scan3A_193, %get3A_399, %get3A_400] : memref<4x128x128xf32, #tpu.memory_space<vmem>> -> memref<1x128x128xf32, #tpu.memory_space<vmem>>
        %get3A_402 = tpu.memref_squeeze %get3A_401 : memref<1x128x128xf32, #tpu.memory_space<vmem>> -> memref<128x128xf32, #tpu.memory_space<vmem>>
        %get3A_403 = arith.index_cast %add3A_398 : i32 to index
        %get3A_404 = arith.constant 48 : index
        %get3A_405 = tpu.vector_load %get3A_402[%get3A_403, %get3A_404] {strides = array<i32>} : memref<128x128xf32, #tpu.memory_space<vmem>>, vector<1x16xf32>,
        %get3A_406 = vector.shape_cast %get3A_405 : vector<1x16xf32> to vector<16xf32>
        %add3A_407 = arith.addf %add3A_303, %get3A_406 : vector<16xf32>
        %mul3A_408 = arith.constant 4 : i32
        %mul3A_409 = arith.muli %mul3A_408, %scan3A_244 : i32
        %add3A_410 = arith.constant 1 : i32
        %add3A_411 = arith.addi %mul3A_409, %add3A_410 : i32
        %get3A_412 = arith.constant 0 : i32
        %get3A_413 = arith.constant 0 : i32
        %get3A_414 = tpu.memref_slice %arg6[%scan3A_193, %get3A_412, %get3A_413] : memref<4x128x128xf32, #tpu.memory_space<vmem>> -> memref<1x128x128xf32, #tpu.memory_space<vmem>>
        %get3A_415 = tpu.memref_squeeze %get3A_414 : memref<1x128x128xf32, #tpu.memory_space<vmem>> -> memref<128x128xf32, #tpu.memory_space<vmem>>
        %get3A_416 = arith.index_cast %add3A_411 : i32 to index
        %get3A_417 = arith.constant 64 : index
        %get3A_418 = tpu.vector_load %get3A_415[%get3A_416, %get3A_417] {strides = array<i32>} : memref<128x128xf32, #tpu.memory_space<vmem>>, vector<1x16xf32>,
        %get3A_419 = vector.shape_cast %get3A_418 : vector<1x16xf32> to vector<16xf32>
        %add3A_420 = arith.addf %add3A_316, %get3A_419 : vector<16xf32>
        %mul3A_421 = arith.constant 4 : i32
        %mul3A_422 = arith.muli %mul3A_421, %scan3A_244 : i32
        %add3A_423 = arith.constant 1 : i32
        %add3A_424 = arith.addi %mul3A_422, %add3A_423 : i32
        %get3A_425 = arith.constant 0 : i32
        %get3A_426 = arith.constant 0 : i32
        %get3A_427 = tpu.memref_slice %arg6[%scan3A_193, %get3A_425, %get3A_426] : memref<4x128x128xf32, #tpu.memory_space<vmem>> -> memref<1x128x128xf32, #tpu.memory_space<vmem>>
        %get3A_428 = tpu.memref_squeeze %get3A_427 : memref<1x128x128xf32, #tpu.memory_space<vmem>> -> memref<128x128xf32, #tpu.memory_space<vmem>>
        %get3A_429 = arith.index_cast %add3A_424 : i32 to index
        %get3A_430 = arith.constant 80 : index
        %get3A_431 = tpu.vector_load %get3A_428[%get3A_429, %get3A_430] {strides = array<i32>} : memref<128x128xf32, #tpu.memory_space<vmem>>, vector<1x16xf32>,
        %get3A_432 = vector.shape_cast %get3A_431 : vector<1x16xf32> to vector<16xf32>
        %add3A_433 = arith.addf %add3A_329, %get3A_432 : vector<16xf32>
        %mul3A_434 = arith.constant 4 : i32
        %mul3A_435 = arith.muli %mul3A_434, %scan3A_244 : i32
        %add3A_436 = arith.constant 1 : i32
        %add3A_437 = arith.addi %mul3A_435, %add3A_436 : i32
        %get3A_438 = arith.constant 0 : i32
        %get3A_439 = arith.constant 0 : i32
        %get3A_440 = tpu.memref_slice %arg6[%scan3A_193, %get3A_438, %get3A_439] : memref<4x128x128xf32, #tpu.memory_space<vmem>> -> memref<1x128x128xf32, #tpu.memory_space<vmem>>
        %get3A_441 = tpu.memref_squeeze %get3A_440 : memref<1x128x128xf32, #tpu.memory_space<vmem>> -> memref<128x128xf32, #tpu.memory_space<vmem>>
        %get3A_442 = arith.index_cast %add3A_437 : i32 to index
        %get3A_443 = arith.constant 96 : index
        %get3A_444 = tpu.vector_load %get3A_441[%get3A_442, %get3A_443] {strides = array<i32>} : memref<128x128xf32, #tpu.memory_space<vmem>>, vector<1x16xf32>,
        %get3A_445 = vector.shape_cast %get3A_444 : vector<1x16xf32> to vector<16xf32>
        %add3A_446 = arith.addf %add3A_342, %get3A_445 : vector<16xf32>
        %mul3A_447 = arith.constant 4 : i32
        %mul3A_448 = arith.muli %mul3A_447, %scan3A_244 : i32
        %add3A_449 = arith.constant 1 : i32
        %add3A_450 = arith.addi %mul3A_448, %add3A_449 : i32
        %get3A_451 = arith.constant 0 : i32
        %get3A_452 = arith.constant 0 : i32
        %get3A_453 = tpu.memref_slice %arg6[%scan3A_193, %get3A_451, %get3A_452] : memref<4x128x128xf32, #tpu.memory_space<vmem>> -> memref<1x128x128xf32, #tpu.memory_space<vmem>>
        %get3A_454 = tpu.memref_squeeze %get3A_453 : memref<1x128x128xf32, #tpu.memory_space<vmem>> -> memref<128x128xf32, #tpu.memory_space<vmem>>
        %get3A_455 = arith.index_cast %add3A_450 : i32 to index
        %get3A_456 = arith.constant 112 : index
        %get3A_457 = tpu.vector_load %get3A_454[%get3A_455, %get3A_456] {strides = array<i32>} : memref<128x128xf32, #tpu.memory_space<vmem>>, vector<1x16xf32>,
        %get3A_458 = vector.shape_cast %get3A_457 : vector<1x16xf32> to vector<16xf32>
        %add3A_459 = arith.addf %add3A_355, %get3A_458 : vector<16xf32>
        %mul3A_460 = arith.constant 4 : i32
        %mul3A_461 = arith.muli %mul3A_460, %scan3A_244 : i32
        %add3A_462 = arith.constant 2 : i32
        %add3A_463 = arith.addi %mul3A_461, %add3A_462 : i32
        %get3A_464 = arith.constant 0 : i32
        %get3A_465 = arith.constant 0 : i32
        %get3A_466 = tpu.memref_slice %arg6[%scan3A_193, %get3A_464, %get3A_465] : memref<4x128x128xf32, #tpu.memory_space<vmem>> -> memref<1x128x128xf32, #tpu.memory_space<vmem>>
        %get3A_467 = tpu.memref_squeeze %get3A_466 : memref<1x128x128xf32, #tpu.memory_space<vmem>> -> memref<128x128xf32, #tpu.memory_space<vmem>>
        %get3A_468 = arith.index_cast %add3A_463 : i32 to index
        %get3A_469 = arith.constant 0 : index
        %get3A_470 = tpu.vector_load %get3A_467[%get3A_468, %get3A_469] {strides = array<i32>} : memref<128x128xf32, #tpu.memory_space<vmem>>, vector<1x16xf32>,
        %get3A_471 = vector.shape_cast %get3A_470 : vector<1x16xf32> to vector<16xf32>
        %add3A_472 = arith.addf %add3A_368, %get3A_471 : vector<16xf32>
        %mul3A_473 = arith.constant 4 : i32
        %mul3A_474 = arith.muli %mul3A_473, %scan3A_244 : i32
        %add3A_475 = arith.constant 2 : i32
        %add3A_476 = arith.addi %mul3A_474, %add3A_475 : i32
        %get3A_477 = arith.constant 0 : i32
        %get3A_478 = arith.constant 0 : i32
        %get3A_479 = tpu.memref_slice %arg6[%scan3A_193, %get3A_477, %get3A_478] : memref<4x128x128xf32, #tpu.memory_space<vmem>> -> memref<1x128x128xf32, #tpu.memory_space<vmem>>
        %get3A_480 = tpu.memref_squeeze %get3A_479 : memref<1x128x128xf32, #tpu.memory_space<vmem>> -> memref<128x128xf32, #tpu.memory_space<vmem>>
        %get3A_481 = arith.index_cast %add3A_476 : i32 to index
        %get3A_482 = arith.constant 16 : index
        %get3A_483 = tpu.vector_load %get3A_480[%get3A_481, %get3A_482] {strides = array<i32>} : memref<128x128xf32, #tpu.memory_space<vmem>>, vector<1x16xf32>,
        %get3A_484 = vector.shape_cast %get3A_483 : vector<1x16xf32> to vector<16xf32>
        %add3A_485 = arith.addf %add3A_381, %get3A_484 : vector<16xf32>
        %mul3A_486 = arith.constant 4 : i32
        %mul3A_487 = arith.muli %mul3A_486, %scan3A_244 : i32
        %add3A_488 = arith.constant 2 : i32
        %add3A_489 = arith.addi %mul3A_487, %add3A_488 : i32
        %get3A_490 = arith.constant 0 : i32
        %get3A_491 = arith.constant 0 : i32
        %get3A_492 = tpu.memref_slice %arg6[%scan3A_193, %get3A_490, %get3A_491] : memref<4x128x128xf32, #tpu.memory_space<vmem>> -> memref<1x128x128xf32, #tpu.memory_space<vmem>>
        %get3A_493 = tpu.memref_squeeze %get3A_492 : memref<1x128x128xf32, #tpu.memory_space<vmem>> -> memref<128x128xf32, #tpu.memory_space<vmem>>
        %get3A_494 = arith.index_cast %add3A_489 : i32 to index
        %get3A_495 = arith.constant 32 : index
        %get3A_496 = tpu.vector_load %get3A_493[%get3A_494, %get3A_495] {strides = array<i32>} : memref<128x128xf32, #tpu.memory_space<vmem>>, vector<1x16xf32>,
        %get3A_497 = vector.shape_cast %get3A_496 : vector<1x16xf32> to vector<16xf32>
        %add3A_498 = arith.addf %add3A_394, %get3A_497 : vector<16xf32>
        %mul3A_499 = arith.constant 4 : i32
        %mul3A_500 = arith.muli %mul3A_499, %scan3A_244 : i32
        %add3A_501 = arith.constant 2 : i32
        %add3A_502 = arith.addi %mul3A_500, %add3A_501 : i32
        %get3A_503 = arith.constant 0 : i32
        %get3A_504 = arith.constant 0 : i32
        %get3A_505 = tpu.memref_slice %arg6[%scan3A_193, %get3A_503, %get3A_504] : memref<4x128x128xf32, #tpu.memory_space<vmem>> -> memref<1x128x128xf32, #tpu.memory_space<vmem>>
        %get3A_506 = tpu.memref_squeeze %get3A_505 : memref<1x128x128xf32, #tpu.memory_space<vmem>> -> memref<128x128xf32, #tpu.memory_space<vmem>>
        %get3A_507 = arith.index_cast %add3A_502 : i32 to index
        %get3A_508 = arith.constant 48 : index
        %get3A_509 = tpu.vector_load %get3A_506[%get3A_507, %get3A_508] {strides = array<i32>} : memref<128x128xf32, #tpu.memory_space<vmem>>, vector<1x16xf32>,
        %get3A_510 = vector.shape_cast %get3A_509 : vector<1x16xf32> to vector<16xf32>
        %add3A_511 = arith.addf %add3A_407, %get3A_510 : vector<16xf32>
        %mul3A_512 = arith.constant 4 : i32
        %mul3A_513 = arith.muli %mul3A_512, %scan3A_244 : i32
        %add3A_514 = arith.constant 2 : i32
        %add3A_515 = arith.addi %mul3A_513, %add3A_514 : i32
        %get3A_516 = arith.constant 0 : i32
        %get3A_517 = arith.constant 0 : i32
        %get3A_518 = tpu.memref_slice %arg6[%scan3A_193, %get3A_516, %get3A_517] : memref<4x128x128xf32, #tpu.memory_space<vmem>> -> memref<1x128x128xf32, #tpu.memory_space<vmem>>
        %get3A_519 = tpu.memref_squeeze %get3A_518 : memref<1x128x128xf32, #tpu.memory_space<vmem>> -> memref<128x128xf32, #tpu.memory_space<vmem>>
        %get3A_520 = arith.index_cast %add3A_515 : i32 to index
        %get3A_521 = arith.constant 64 : index
        %get3A_522 = tpu.vector_load %get3A_519[%get3A_520, %get3A_521] {strides = array<i32>} : memref<128x128xf32, #tpu.memory_space<vmem>>, vector<1x16xf32>,
        %get3A_523 = vector.shape_cast %get3A_522 : vector<1x16xf32> to vector<16xf32>
        %add3A_524 = arith.addf %add3A_420, %get3A_523 : vector<16xf32>
        %mul3A_525 = arith.constant 4 : i32
        %mul3A_526 = arith.muli %mul3A_525, %scan3A_244 : i32
        %add3A_527 = arith.constant 2 : i32
        %add3A_528 = arith.addi %mul3A_526, %add3A_527 : i32
        %get3A_529 = arith.constant 0 : i32
        %get3A_530 = arith.constant 0 : i32
        %get3A_531 = tpu.memref_slice %arg6[%scan3A_193, %get3A_529, %get3A_530] : memref<4x128x128xf32, #tpu.memory_space<vmem>> -> memref<1x128x128xf32, #tpu.memory_space<vmem>>
        %get3A_532 = tpu.memref_squeeze %get3A_531 : memref<1x128x128xf32, #tpu.memory_space<vmem>> -> memref<128x128xf32, #tpu.memory_space<vmem>>
        %get3A_533 = arith.index_cast %add3A_528 : i32 to index
        %get3A_534 = arith.constant 80 : index
        %get3A_535 = tpu.vector_load %get3A_532[%get3A_533, %get3A_534] {strides = array<i32>} : memref<128x128xf32, #tpu.memory_space<vmem>>, vector<1x16xf32>,
        %get3A_536 = vector.shape_cast %get3A_535 : vector<1x16xf32> to vector<16xf32>
        %add3A_537 = arith.addf %add3A_433, %get3A_536 : vector<16xf32>
        %mul3A_538 = arith.constant 4 : i32
        %mul3A_539 = arith.muli %mul3A_538, %scan3A_244 : i32
        %add3A_540 = arith.constant 2 : i32
        %add3A_541 = arith.addi %mul3A_539, %add3A_540 : i32
        %get3A_542 = arith.constant 0 : i32
        %get3A_543 = arith.constant 0 : i32
        %get3A_544 = tpu.memref_slice %arg6[%scan3A_193, %get3A_542, %get3A_543] : memref<4x128x128xf32, #tpu.memory_space<vmem>> -> memref<1x128x128xf32, #tpu.memory_space<vmem>>
        %get3A_545 = tpu.memref_squeeze %get3A_544 : memref<1x128x128xf32, #tpu.memory_space<vmem>> -> memref<128x128xf32, #tpu.memory_space<vmem>>
        %get3A_546 = arith.index_cast %add3A_541 : i32 to index
        %get3A_547 = arith.constant 96 : index
        %get3A_548 = tpu.vector_load %get3A_545[%get3A_546, %get3A_547] {strides = array<i32>} : memref<128x128xf32, #tpu.memory_space<vmem>>, vector<1x16xf32>,
        %get3A_549 = vector.shape_cast %get3A_548 : vector<1x16xf32> to vector<16xf32>
        %add3A_550 = arith.addf %add3A_446, %get3A_549 : vector<16xf32>
        %mul3A_551 = arith.constant 4 : i32
        %mul3A_552 = arith.muli %mul3A_551, %scan3A_244 : i32
        %add3A_553 = arith.constant 2 : i32
        %add3A_554 = arith.addi %mul3A_552, %add3A_553 : i32
        %get3A_555 = arith.constant 0 : i32
        %get3A_556 = arith.constant 0 : i32
        %get3A_557 = tpu.memref_slice %arg6[%scan3A_193, %get3A_555, %get3A_556] : memref<4x128x128xf32, #tpu.memory_space<vmem>> -> memref<1x128x128xf32, #tpu.memory_space<vmem>>
        %get3A_558 = tpu.memref_squeeze %get3A_557 : memref<1x128x128xf32, #tpu.memory_space<vmem>> -> memref<128x128xf32, #tpu.memory_space<vmem>>
        %get3A_559 = arith.index_cast %add3A_554 : i32 to index
        %get3A_560 = arith.constant 112 : index
        %get3A_561 = tpu.vector_load %get3A_558[%get3A_559, %get3A_560] {strides = array<i32>} : memref<128x128xf32, #tpu.memory_space<vmem>>, vector<1x16xf32>,
        %get3A_562 = vector.shape_cast %get3A_561 : vector<1x16xf32> to vector<16xf32>
        %add3A_563 = arith.addf %add3A_459, %get3A_562 : vector<16xf32>
        %mul3A_564 = arith.constant 4 : i32
        %mul3A_565 = arith.muli %mul3A_564, %scan3A_244 : i32
        %add3A_566 = arith.constant 3 : i32
        %add3A_567 = arith.addi %mul3A_565, %add3A_566 : i32
        %get3A_568 = arith.constant 0 : i32
        %get3A_569 = arith.constant 0 : i32
        %get3A_570 = tpu.memref_slice %arg6[%scan3A_193, %get3A_568, %get3A_569] : memref<4x128x128xf32, #tpu.memory_space<vmem>> -> memref<1x128x128xf32, #tpu.memory_space<vmem>>
        %get3A_571 = tpu.memref_squeeze %get3A_570 : memref<1x128x128xf32, #tpu.memory_space<vmem>> -> memref<128x128xf32, #tpu.memory_space<vmem>>
        %get3A_572 = arith.index_cast %add3A_567 : i32 to index
        %get3A_573 = arith.constant 0 : index
        %get3A_574 = tpu.vector_load %get3A_571[%get3A_572, %get3A_573] {strides = array<i32>} : memref<128x128xf32, #tpu.memory_space<vmem>>, vector<1x16xf32>,
        %get3A_575 = vector.shape_cast %get3A_574 : vector<1x16xf32> to vector<16xf32>
        %add3A_576 = arith.addf %add3A_472, %get3A_575 : vector<16xf32>
        %mul3A_577 = arith.constant 4 : i32
        %mul3A_578 = arith.muli %mul3A_577, %scan3A_244 : i32
        %add3A_579 = arith.constant 3 : i32
        %add3A_580 = arith.addi %mul3A_578, %add3A_579 : i32
        %get3A_581 = arith.constant 0 : i32
        %get3A_582 = arith.constant 0 : i32
        %get3A_583 = tpu.memref_slice %arg6[%scan3A_193, %get3A_581, %get3A_582] : memref<4x128x128xf32, #tpu.memory_space<vmem>> -> memref<1x128x128xf32, #tpu.memory_space<vmem>>
        %get3A_584 = tpu.memref_squeeze %get3A_583 : memref<1x128x128xf32, #tpu.memory_space<vmem>> -> memref<128x128xf32, #tpu.memory_space<vmem>>
        %get3A_585 = arith.index_cast %add3A_580 : i32 to index
        %get3A_586 = arith.constant 16 : index
        %get3A_587 = tpu.vector_load %get3A_584[%get3A_585, %get3A_586] {strides = array<i32>} : memref<128x128xf32, #tpu.memory_space<vmem>>, vector<1x16xf32>,
        %get3A_588 = vector.shape_cast %get3A_587 : vector<1x16xf32> to vector<16xf32>
        %add3A_589 = arith.addf %add3A_485, %get3A_588 : vector<16xf32>
        %mul3A_590 = arith.constant 4 : i32
        %mul3A_591 = arith.muli %mul3A_590, %scan3A_244 : i32
        %add3A_592 = arith.constant 3 : i32
        %add3A_593 = arith.addi %mul3A_591, %add3A_592 : i32
        %get3A_594 = arith.constant 0 : i32
        %get3A_595 = arith.constant 0 : i32
        %get3A_596 = tpu.memref_slice %arg6[%scan3A_193, %get3A_594, %get3A_595] : memref<4x128x128xf32, #tpu.memory_space<vmem>> -> memref<1x128x128xf32, #tpu.memory_space<vmem>>
        %get3A_597 = tpu.memref_squeeze %get3A_596 : memref<1x128x128xf32, #tpu.memory_space<vmem>> -> memref<128x128xf32, #tpu.memory_space<vmem>>
        %get3A_598 = arith.index_cast %add3A_593 : i32 to index
        %get3A_599 = arith.constant 32 : index
        %get3A_600 = tpu.vector_load %get3A_597[%get3A_598, %get3A_599] {strides = array<i32>} : memref<128x128xf32, #tpu.memory_space<vmem>>, vector<1x16xf32>,
        %get3A_601 = vector.shape_cast %get3A_600 : vector<1x16xf32> to vector<16xf32>
        %add3A_602 = arith.addf %add3A_498, %get3A_601 : vector<16xf32>
        %mul3A_603 = arith.constant 4 : i32
        %mul3A_604 = arith.muli %mul3A_603, %scan3A_244 : i32
        %add3A_605 = arith.constant 3 : i32
        %add3A_606 = arith.addi %mul3A_604, %add3A_605 : i32
        %get3A_607 = arith.constant 0 : i32
        %get3A_608 = arith.constant 0 : i32
        %get3A_609 = tpu.memref_slice %arg6[%scan3A_193, %get3A_607, %get3A_608] : memref<4x128x128xf32, #tpu.memory_space<vmem>> -> memref<1x128x128xf32, #tpu.memory_space<vmem>>
        %get3A_610 = tpu.memref_squeeze %get3A_609 : memref<1x128x128xf32, #tpu.memory_space<vmem>> -> memref<128x128xf32, #tpu.memory_space<vmem>>
        %get3A_611 = arith.index_cast %add3A_606 : i32 to index
        %get3A_612 = arith.constant 48 : index
        %get3A_613 = tpu.vector_load %get3A_610[%get3A_611, %get3A_612] {strides = array<i32>} : memref<128x128xf32, #tpu.memory_space<vmem>>, vector<1x16xf32>,
        %get3A_614 = vector.shape_cast %get3A_613 : vector<1x16xf32> to vector<16xf32>
        %add3A_615 = arith.addf %add3A_511, %get3A_614 : vector<16xf32>
        %mul3A_616 = arith.constant 4 : i32
        %mul3A_617 = arith.muli %mul3A_616, %scan3A_244 : i32
        %add3A_618 = arith.constant 3 : i32
        %add3A_619 = arith.addi %mul3A_617, %add3A_618 : i32
        %get3A_620 = arith.constant 0 : i32
        %get3A_621 = arith.constant 0 : i32
        %get3A_622 = tpu.memref_slice %arg6[%scan3A_193, %get3A_620, %get3A_621] : memref<4x128x128xf32, #tpu.memory_space<vmem>> -> memref<1x128x128xf32, #tpu.memory_space<vmem>>
        %get3A_623 = tpu.memref_squeeze %get3A_622 : memref<1x128x128xf32, #tpu.memory_space<vmem>> -> memref<128x128xf32, #tpu.memory_space<vmem>>
        %get3A_624 = arith.index_cast %add3A_619 : i32 to index
        %get3A_625 = arith.constant 64 : index
        %get3A_626 = tpu.vector_load %get3A_623[%get3A_624, %get3A_625] {strides = array<i32>} : memref<128x128xf32, #tpu.memory_space<vmem>>, vector<1x16xf32>,
        %get3A_627 = vector.shape_cast %get3A_626 : vector<1x16xf32> to vector<16xf32>
        %add3A_628 = arith.addf %add3A_524, %get3A_627 : vector<16xf32>
        %mul3A_629 = arith.constant 4 : i32
        %mul3A_630 = arith.muli %mul3A_629, %scan3A_244 : i32
        %add3A_631 = arith.constant 3 : i32
        %add3A_632 = arith.addi %mul3A_630, %add3A_631 : i32
        %get3A_633 = arith.constant 0 : i32
        %get3A_634 = arith.constant 0 : i32
        %get3A_635 = tpu.memref_slice %arg6[%scan3A_193, %get3A_633, %get3A_634] : memref<4x128x128xf32, #tpu.memory_space<vmem>> -> memref<1x128x128xf32, #tpu.memory_space<vmem>>
        %get3A_636 = tpu.memref_squeeze %get3A_635 : memref<1x128x128xf32, #tpu.memory_space<vmem>> -> memref<128x128xf32, #tpu.memory_space<vmem>>
        %get3A_637 = arith.index_cast %add3A_632 : i32 to index
        %get3A_638 = arith.constant 80 : index
        %get3A_639 = tpu.vector_load %get3A_636[%get3A_637, %get3A_638] {strides = array<i32>} : memref<128x128xf32, #tpu.memory_space<vmem>>, vector<1x16xf32>,
        %get3A_640 = vector.shape_cast %get3A_639 : vector<1x16xf32> to vector<16xf32>
        %add3A_641 = arith.addf %add3A_537, %get3A_640 : vector<16xf32>
        %mul3A_642 = arith.constant 4 : i32
        %mul3A_643 = arith.muli %mul3A_642, %scan3A_244 : i32
        %add3A_644 = arith.constant 3 : i32
        %add3A_645 = arith.addi %mul3A_643, %add3A_644 : i32
        %get3A_646 = arith.constant 0 : i32
        %get3A_647 = arith.constant 0 : i32
        %get3A_648 = tpu.memref_slice %arg6[%scan3A_193, %get3A_646, %get3A_647] : memref<4x128x128xf32, #tpu.memory_space<vmem>> -> memref<1x128x128xf32, #tpu.memory_space<vmem>>
        %get3A_649 = tpu.memref_squeeze %get3A_648 : memref<1x128x128xf32, #tpu.memory_space<vmem>> -> memref<128x128xf32, #tpu.memory_space<vmem>>
        %get3A_650 = arith.index_cast %add3A_645 : i32 to index
        %get3A_651 = arith.constant 96 : index
        %get3A_652 = tpu.vector_load %get3A_649[%get3A_650, %get3A_651] {strides = array<i32>} : memref<128x128xf32, #tpu.memory_space<vmem>>, vector<1x16xf32>,
        %get3A_653 = vector.shape_cast %get3A_652 : vector<1x16xf32> to vector<16xf32>
        %add3A_654 = arith.addf %add3A_550, %get3A_653 : vector<16xf32>
        %mul3A_655 = arith.constant 4 : i32
        %mul3A_656 = arith.muli %mul3A_655, %scan3A_244 : i32
        %add3A_657 = arith.constant 3 : i32
        %add3A_658 = arith.addi %mul3A_656, %add3A_657 : i32
        %get3A_659 = arith.constant 0 : i32
        %get3A_660 = arith.constant 0 : i32
        %get3A_661 = tpu.memref_slice %arg6[%scan3A_193, %get3A_659, %get3A_660] : memref<4x128x128xf32, #tpu.memory_space<vmem>> -> memref<1x128x128xf32, #tpu.memory_space<vmem>>
        %get3A_662 = tpu.memref_squeeze %get3A_661 : memref<1x128x128xf32, #tpu.memory_space<vmem>> -> memref<128x128xf32, #tpu.memory_space<vmem>>
        %get3A_663 = arith.index_cast %add3A_658 : i32 to index
        %get3A_664 = arith.constant 112 : index
        %get3A_665 = tpu.vector_load %get3A_662[%get3A_663, %get3A_664] {strides = array<i32>} : memref<128x128xf32, #tpu.memory_space<vmem>>, vector<1x16xf32>,
        %get3A_666 = vector.shape_cast %get3A_665 : vector<1x16xf32> to vector<16xf32>
        %add3A_667 = arith.addf %add3A_563, %get3A_666 : vector<16xf32>
        scf.yield %add3A_576, %add3A_589, %add3A_602, %add3A_615, %add3A_628, %add3A_641, %add3A_654, %add3A_667 : vector<16xf32>, vector<16xf32>, vector<16xf32>, vector<16xf32>, vector<16xf32>, vector<16xf32>, vector<16xf32>, vector<16xf32>
      }
      %scan3A_199 = arith.constant 18 : i32
      %mul3A_200 = arith.constant 2 : i32
      %mul3A_201 = arith.muli %mul3A_200, %scan3A_52 : i32
      %add3A_202 = arith.constant 1 : i32
      %add3A_203 = arith.addi %mul3A_201, %add3A_202 : i32
      %swap3A_204 = arith.index_cast %add3A_203 : i32 to index
      %swap3A_205 = arith.constant 0 : index
      %swap3A_206 = tpu.vector_load %arg7[%swap3A_204, %swap3A_205] {strides = array<i32>} : memref<128x128xf32, #tpu.memory_space<vmem>>, vector<1x16xf32>,
      %swap3A_207 = vector.shape_cast %swap3A_206 : vector<1x16xf32> to vector<16xf32>
      %swap3A_208 = vector.shape_cast %scan3A_198#0 : vector<16xf32> to vector<1x16xf32>
      tpu.vector_store %arg7[%swap3A_204, %swap3A_205], %swap3A_208 {strides = array<i32>} : memref<128x128xf32, #tpu.memory_space<vmem>>, vector<1x16xf32>,
      %swap3A_209 = arith.index_cast %add3A_203 : i32 to index
      %swap3A_210 = arith.constant 16 : index
      %swap3A_211 = tpu.vector_load %arg7[%swap3A_209, %swap3A_210] {strides = array<i32>} : memref<128x128xf32, #tpu.memory_space<vmem>>, vector<1x16xf32>,
      %swap3A_212 = vector.shape_cast %swap3A_211 : vector<1x16xf32> to vector<16xf32>
      %swap3A_213 = vector.shape_cast %scan3A_198#1 : vector<16xf32> to vector<1x16xf32>
      tpu.vector_store %arg7[%swap3A_209, %swap3A_210], %swap3A_213 {strides = array<i32>} : memref<128x128xf32, #tpu.memory_space<vmem>>, vector<1x16xf32>,
      %swap3A_214 = arith.index_cast %add3A_203 : i32 to index
      %swap3A_215 = arith.constant 32 : index
      %swap3A_216 = tpu.vector_load %arg7[%swap3A_214, %swap3A_215] {strides = array<i32>} : memref<128x128xf32, #tpu.memory_space<vmem>>, vector<1x16xf32>,
      %swap3A_217 = vector.shape_cast %swap3A_216 : vector<1x16xf32> to vector<16xf32>
      %swap3A_218 = vector.shape_cast %scan3A_198#2 : vector<16xf32> to vector<1x16xf32>
      tpu.vector_store %arg7[%swap3A_214, %swap3A_215], %swap3A_218 {strides = array<i32>} : memref<128x128xf32, #tpu.memory_space<vmem>>, vector<1x16xf32>,
      %swap3A_219 = arith.index_cast %add3A_203 : i32 to index
      %swap3A_220 = arith.constant 48 : index
      %swap3A_221 = tpu.vector_load %arg7[%swap3A_219, %swap3A_220] {strides = array<i32>} : memref<128x128xf32, #tpu.memory_space<vmem>>, vector<1x16xf32>,
      %swap3A_222 = vector.shape_cast %swap3A_221 : vector<1x16xf32> to vector<16xf32>
      %swap3A_223 = vector.shape_cast %scan3A_198#3 : vector<16xf32> to vector<1x16xf32>
      tpu.vector_store %arg7[%swap3A_219, %swap3A_220], %swap3A_223 {strides = array<i32>} : memref<128x128xf32, #tpu.memory_space<vmem>>, vector<1x16xf32>,
      %swap3A_224 = arith.index_cast %add3A_203 : i32 to index
      %swap3A_225 = arith.constant 64 : index
      %swap3A_226 = tpu.vector_load %arg7[%swap3A_224, %swap3A_225] {strides = array<i32>} : memref<128x128xf32, #tpu.memory_space<vmem>>, vector<1x16xf32>,
      %swap3A_227 = vector.shape_cast %swap3A_226 : vector<1x16xf32> to vector<16xf32>
      %swap3A_228 = vector.shape_cast %scan3A_198#4 : vector<16xf32> to vector<1x16xf32>
      tpu.vector_store %arg7[%swap3A_224, %swap3A_225], %swap3A_228 {strides = array<i32>} : memref<128x128xf32, #tpu.memory_space<vmem>>, vector<1x16xf32>,
      %swap3A_229 = arith.index_cast %add3A_203 : i32 to index
      %swap3A_230 = arith.constant 80 : index
      %swap3A_231 = tpu.vector_load %arg7[%swap3A_229, %swap3A_230] {strides = array<i32>} : memref<128x128xf32, #tpu.memory_space<vmem>>, vector<1x16xf32>,
      %swap3A_232 = vector.shape_cast %swap3A_231 : vector<1x16xf32> to vector<16xf32>
      %swap3A_233 = vector.shape_cast %scan3A_198#5 : vector<16xf32> to vector<1x16xf32>
      tpu.vector_store %arg7[%swap3A_229, %swap3A_230], %swap3A_233 {strides = array<i32>} : memref<128x128xf32, #tpu.memory_space<vmem>>, vector<1x16xf32>,
      %swap3A_234 = arith.index_cast %add3A_203 : i32 to index
      %swap3A_235 = arith.constant 96 : index
      %swap3A_236 = tpu.vector_load %arg7[%swap3A_234, %swap3A_235] {strides = array<i32>} : memref<128x128xf32, #tpu.memory_space<vmem>>, vector<1x16xf32>,
      %swap3A_237 = vector.shape_cast %swap3A_236 : vector<1x16xf32> to vector<16xf32>
      %swap3A_238 = vector.shape_cast %scan3A_198#6 : vector<16xf32> to vector<1x16xf32>
      tpu.vector_store %arg7[%swap3A_234, %swap3A_235], %swap3A_238 {strides = array<i32>} : memref<128x128xf32, #tpu.memory_space<vmem>>, vector<1x16xf32>,
      %swap3A_239 = arith.index_cast %add3A_203 : i32 to index
      %swap3A_240 = arith.constant 112 : index
      %swap3A_241 = tpu.vector_load %arg7[%swap3A_239, %swap3A_240] {strides = array<i32>} : memref<128x128xf32, #tpu.memory_space<vmem>>, vector<1x16xf32>,
      %swap3A_242 = vector.shape_cast %swap3A_241 : vector<1x16xf32> to vector<16xf32>
      %swap3A_243 = vector.shape_cast %scan3A_198#7 : vector<16xf32> to vector<1x16xf32>
      tpu.vector_store %arg7[%swap3A_239, %swap3A_240], %swap3A_243 {strides = array<i32>} : memref<128x128xf32, #tpu.memory_space<vmem>>, vector<1x16xf32>,
    }
    %scan3A_49 = arith.constant 64 : i32
    %mul3A_50 = arith.constant 128 : i32
    %mul3A_51 = arith.muli %add3A, %mul3A_50 : i32
    "tpu.region"() ({
      %run_scoped3A = tpu.sem_alloc : memref<!tpu.dma_semaphore, #tpu.memory_space<semaphore_mem>>
      %dma_start3A_52 = arith.constant 0 : i32
      %dma_start3A_53 = tpu.memref_slice %arg4[%mul3A_51, %dma_start3A_52] : memref<4096x128xf32, #tpu.memory_space<hbm>> -> memref<128x128xf32, #tpu.memory_space<hbm>>
      %dma_start3A_54 = arith.constant 0 : i32
      %dma_start3A_55 = tpu.memref_slice %arg4[%mul3A_51, %dma_start3A_54] : memref<4096x128xf32, #tpu.memory_space<hbm>> -> memref<128x128xf32, #tpu.memory_space<hbm>>
      tpu.enqueue_dma source(%arg7 : memref<128x128xf32, #tpu.memory_space<vmem>>) target(%dma_start3A_55 : memref<128x128xf32, #tpu.memory_space<hbm>>) target_semaphore(%run_scoped3A : memref<!tpu.dma_semaphore, #tpu.memory_space<semaphore_mem>>)
      %dma_wait3A = arith.constant 0 : i32
      %dma_wait3A_56 = tpu.memref_slice %arg4[%mul3A_51, %dma_wait3A] : memref<4096x128xf32, #tpu.memory_space<hbm>> -> memref<128x128xf32, #tpu.memory_space<hbm>>
      %dma_wait3A_57 = arith.constant 0 : i32
      %dma_wait3A_58 = tpu.memref_slice %arg4[%mul3A_51, %dma_wait3A_57] : memref<4096x128xf32, #tpu.memory_space<hbm>> -> memref<128x128xf32, #tpu.memory_space<hbm>>
      tpu.wait_dma2 semaphore(%run_scoped3A : memref<!tpu.dma_semaphore, #tpu.memory_space<semaphore_mem>>) src(%arg7 : memref<128x128xf32, #tpu.memory_space<vmem>>) dst(%dma_wait3A_58 : memref<128x128xf32, #tpu.memory_space<hbm>>)
      tpu.yield
    }) : () -> ()
    return
  }
}

</mosaic_0001>

<sc_bundles>
// kernel: kernel.3.cloned.1.call-start
scs
__scs_entry_jumppad:
0x0: {  	(pc) =	sbr.rel $0x88, $3  }
0x1: {  	(tag) =	ssettag $0x0;
	lr =	simm.s32 $0x1  }
0x2: {  	[smem:$0x3F9F] =	sst lr;
	_ =	strace $0xD0000000  }
0x3: {  	_ = 	snop  }
0x4: {  	_ = 	snop  }
0x5: {  	_ = 	snop  }
0x6: {  	_ = 	snop  }
0x7: {  	_ = 	snop  }
__scs_overlays_trampoline_lowered:
0x8: {  	[smem:$0x3FAE] =	sst s0  }
0x9: {  	[smem:$0x3FAF] =	sst s1  }
0xa: {  	[smem:$0x3FB0] =	sst s2  }
0xb: {  	[smem:$0x3FB1] =	sst s3  }
0xc: {  	[smem:$0x3FB2] =	sst s4  }
0xd: {  	[smem:$0x3FB3] =	sst s5  }
0xe: {  	[smem:$0x3FB4] =	sst s6  }
0xf: {  	[smem:$0x3FB5] =	sst s7  }
0x10: {  	[smem:$0x3FB6] =	sst s8  }
0x11: {  	[smem:$0x3FB7] =	sst s9;
	s0 =	simm.s32 @!p0 $0x0  }
0x12: {  	s1 =	sld [smem:$0x3F9D];
	s0 =	simm.s32 @p0 $0x1  }
0x13: {  	[smem:$0x3FB8] =	sst s0;
	s0 =	simm.s32 @!p1 $0x0  }
0x14: {  	s2 =	sld [smem:$0x3F9C];
	s0 =	simm.s32 @p1 $0x1  }
0x15: {  	[smem:$0x3FB9] =	sst s0;
	s0 =	simm.s32 @!p2 $0x0  }
0x16: {  	s3 =	sld [smem:$0x3FDB];
	s0 =	simm.s32 @p2 $0x1  }
0x17: {  	s4 =	simm.s32 $0x1BF5;
	[smem:$0x3FBB] =	sst s0  }
0x18: {  	s0 =	sld [smem:$0x3F9E];
	_ =	swait.ge [sflag:s4], $0x0  }
0x19: {  	s7 =	sld [smem:$0x3F9F]  }
0x1a: {  	s8 =	sadd.s32 $0xFFFFE003, lr  }
0x1b: {  	s9 =	sadd.s32 $0xFFFFFEF7, lr;
	s5 =	simm.s32 $0xFFFFFFFF;
	p2 =	slt.u32 s8, $0xFFFFF086  }
0x1c: {  	p1 =	slt.u32 s9, $0xF7A;
	s5 =	simm.s32 @!p2 $0x0  }
0x1d: {  	s5 =	simm.s32 @p1 $0x1;
	p0 =	seq.s32 s7, s2  }
0x1e: {  	s7 =	smul.u32 @!p0 $0xF7A, s2;
	p2 =	seq.s32 @!p0 s5, $0x0  }
0x1f: {  	s9 =	smul.u32 $0xF7A, s1;
	s8 =	simm.s32 @!p0 $0x1BF5;
	p2 =	por !p2, p0  }
0x20: {  	[sflag:s8] =	ssyncset.s32 @!p0 $0xFFFFF086;
	s6 =	sadd.s32 @!p0 s3, s7;
	s7 =	simm.s32 @!p0 $0x108  }
0x21: {  	s3 =	sadd.s32 s3, s9;
	s6 =	sadd.s32 @!p0 $0x88, s6;
	s7 =	simm.s32 @p2 $0x1082  }
0x22: {  	[simem:s7], [sflag:s8] =	dma.local @!p0 [hbm:s6], $0xF7A  }
0x23: {  	s9 =	sor.u32 $0xD0000000, s2;
	s6 =	simm.s32 $0x108;
	_ =	swait.ge @!p0 [sflag:s8], $0x0  }
0x24: {  	s3 =	sadd.s32 $0x88, s3;
	s6 =	simm.s32 @!p1 $0x1082;
	[sflag:s4] =	ssyncset.s32 $0xFFFFF086  }
0x25: {  	[simem:s6], [sflag:s4] =	dma.local [hbm:s3], $0xF7A  }
0x26: {  	[smem:$0x3F9F] =	sst s1;
	(tag) =	ssettag s2;
	_ =	strace s9  }
0x27: {  	s1 =	sld [smem:$0x3FAF]  }
0x28: {  	s2 =	sld [smem:$0x3FB0]  }
0x29: {  	s4 =	sld [smem:$0x3FB2]  }
0x2a: {  	p0 =	seq.s32 s5, $0x0;
	s5 =	sld [smem:$0x3FB3]  }
0x2b: {  	s6 =	sld [smem:$0x3FB4]  }
0x2c: {  	s7 =	sld [smem:$0x3FB5]  }
0x2d: {  	s3 =	simm.s32 $0x108;
	s8 =	sld [smem:$0x3FB6]  }
0x2e: {  	s3 =	simm.s32 @!p0 $0x1082;
	s9 =	sld [smem:$0x3FB7]  }
0x2f: {  	lr =	sadd.s32 s0, s3;
	s0 =	sld [smem:$0x3FAE]  }
0x30: {  	s3 =	sld [smem:$0x3FB1]  }
0x31: {  	[smem:$0x3FBA] =	sst s10  }
0x32: {  	s10 =	sld [smem:$0x3FB8];
	_ =	sdelay $0x3  }
0x33: {  	p0 =	seq.s32 s10, $0x1;
	s10 =	sld [smem:$0x3FBA];
	_ =	sdelay $0x3  }
0x34: {  	[smem:$0x3FBA] =	sst s10  }
0x35: {  	s10 =	sld [smem:$0x3FB9];
	_ =	sdelay $0x3  }
0x36: {  	p1 =	seq.s32 s10, $0x1;
	s10 =	sld [smem:$0x3FBA];
	_ =	sdelay $0x3  }
0x37: {  	[smem:$0x3FBA] =	sst s10  }
0x38: {  	s10 =	sld [smem:$0x3FBB]  }
0x39: {  	_ = 	snop;
	(pc) =	sbr.ind lr, $3  }
0x3a: {  	_ = 	snop  }
0x3b: {  	_ = 	snop  }
0x3c: {  	p2 =	seq.s32 s10, $0x1;
	s10 =	sld [smem:$0x3FBA]  }
0x3d: {  	_ =	shalt  }
0x3e: {  	_ =	shalt  }
0x3f: {  	_ =	shalt  }
0x40: {  	_ =	shalt  }
0x41: {  	_ =	shalt  }
0x42: {  	_ =	shalt  }
0x43: {  	_ =	shalt  }
0x44: {  	_ =	shalt  }
0x45: {  	_ =	shalt  }
0x46: {  	_ =	shalt  }
0x47: {  	_ =	shalt  }
0x48: {  	_ =	shalt  }
0x49: {  	_ =	shalt  }
0x4a: {  	_ =	shalt  }
0x4b: {  	_ =	shalt  }
0x4c: {  	_ =	shalt  }
0x4d: {  	_ =	shalt  }
0x4e: {  	_ =	shalt  }
0x4f: {  	_ =	shalt  }
0x50: {  	_ =	shalt  }
0x51: {  	_ =	shalt  }
0x52: {  	_ =	shalt  }
0x53: {  	_ =	shalt  }
0x54: {  	_ =	shalt  }
0x55: {  	_ =	shalt  }
0x56: {  	_ =	shalt  }
0x57: {  	_ =	shalt  }
0x58: {  	_ =	shalt  }
0x59: {  	_ =	shalt  }
0x5a: {  	_ =	shalt  }
0x5b: {  	_ =	shalt  }
0x5c: {  	_ =	shalt  }
0x5d: {  	_ =	shalt  }
0x5e: {  	_ =	shalt  }
0x5f: {  	_ =	shalt  }
0x60: {  	_ =	shalt  }
0x61: {  	_ =	shalt  }
0x62: {  	_ =	shalt  }
0x63: {  	_ =	shalt  }
0x64: {  	_ =	shalt  }
0x65: {  	_ =	shalt  }
0x66: {  	_ =	shalt  }
0x67: {  	_ =	shalt  }
0x68: {  	_ =	shalt  }
0x69: {  	_ =	shalt  }
0x6a: {  	_ =	shalt  }
0x6b: {  	_ =	shalt  }
0x6c: {  	_ =	shalt  }
0x6d: {  	_ =	shalt  }
0x6e: {  	_ =	shalt  }
0x6f: {  	_ =	shalt  }
0x70: {  	_ =	shalt  }
0x71: {  	_ =	shalt  }
0x72: {  	_ =	shalt  }
0x73: {  	_ =	shalt  }
0x74: {  	_ =	shalt  }
0x75: {  	_ =	shalt  }
0x76: {  	_ =	shalt  }
0x77: {  	_ =	shalt  }
0x78: {  	_ =	shalt  }
0x79: {  	_ =	shalt  }
0x7a: {  	_ =	shalt  }
0x7b: {  	_ =	shalt  }
0x7c: {  	_ =	shalt  }
0x7d: {  	_ =	shalt  }
0x7e: {  	_ =	shalt  }
0x7f: {  	_ =	shalt  }
0x80: {  	_ =	shalt  }
0x81: {  	_ =	shalt  }
0x82: {  	_ =	shalt  }
0x83: {  	_ =	shalt  }
0x84: {  	_ =	shalt  }
0x85: {  	_ =	shalt  }
0x86: {  	_ =	shalt  }
0x87: {  	_ =	shalt  }
.Lfunc_end0:
.L_simem_size_0:
called_computation_lowered:
.L_overlay_start_0:
0x88: {  	s2 =	sld [smem:$0x3FD9]  }
0x89: {  	s3 =	sld [smem:$0x3FFE];
	_ =	sdelay $0x1  }
0x8a: {  	s1 =	srdreg.scid  }
0x8b: {  	s0 =	sand.u32 $0x1, s1  }
0x8c: {  	s17 =	sshll.u32 s0, $0xA;
	s2 =	sadd.s32 s3, s2  }
0x8d: {  	s2 =	sadd.s32 s2, s17  }
0x8e: {  	[smem:$0x3FC6] =	sst s2  }
0x8f: {  	_ = 	snop  }
0x90: {  	s2 =	sld [smem:$0x3FC8]  }
0x91: {  	s18 =	sld [smem:$0x3FD0];
	(tm) =	ssettm $0x1  }
0x92: {  	s4 =	sld [smem:$0x3FFB];
	_ =	sdelay $0x3  }
0x93: {  	_ =	strace s4  }
0x94: {  	s4 =	sld [smem:$0x3FFC];
	_ =	sdelay $0x3  }
0x95: {  	_ =	strace s4  }
0x96: {  	s4 =	sld [smem:$0x3FFD];
	_ =	sdelay $0x3  }
0x97: {  	_ =	strace s4  }
0x98: {  	_ =	strace $0x8FFFFFFF  }
0x99: {  	s19 =	sld [smem:$0x3FDB];
	_ =	sdelay $0x1  }
0x9a: {  	s5 =	simm.s32 $_scs_section_size  }
0x9b: {  	s6 =	simm.s32 $_size__tile_overlayer_lowered;
	s7 =	simm.s32 $_tile_overlayer_lowered  }
0x9c: {  	s22 =	simm.s32 $0x1BFF;
	s21 =	sshll.u32 s7, $0x1;
	s4 =	sadd.s32 s5, s19  }
0x9d: {  	s8 =	simm.s32 $0x0;
	s20 =	sshll.u32 s6, $0x1;
	s6 =	sadd.s32 s21, s4  }
0x9e: {  	[timem:s8], [sflag:s22] =	dma.local [hbm:s6], s20  }
0x9f: {  	_ =	swait.ge [sflag:s22], s20  }
0xa0: {  	s5 =	ssub.s32 $0x0, s20;
	[sflag:s22] =	ssyncset.done $0x0  }
0xa1: {  	[sflag:s22] =	ssyncadd.s32 s5;
	_ =	sdelay $0x1  }
0xa2: {  	s23 =	simm.s32 $0x1B8B  }
0xa3: {  	_ =	swait.ge [sflag:s23], $0x1  }
0xa4: {  	[sflag:s23] =	ssyncset.done $0x0  }
0xa5: {  	s25 =	simm.s32 $0x1B8E;
	s24 =	sld [smem:$0x3FFE];
	[sflag:s23] =	ssyncadd.s32 $0xFFFFFFFF  }
0xa6: {  	s26 =	simm.s32 $execute0_lowered;
	[smem:$0x3FD2] =	sst s25  }
0xa7: {  	s6 =	sshll.u32 s26, $0x1;
	_ =	strace $0x80000046;
	[dreg:$0x1] =	wrdreg $0xFFFFFFFF  }
0xa8: {  	s28 =	simm.s32 $_size_execute0_lowered;
	s4 =	sadd.s32 s4, s6;
	[dreg:$0x0] =	wrdreg $0x0  }
0xa9: {  	s6 =	sshll.u32 s28, $0x1;
	[dreg:$0x2] =	wrdreg s4  }
0xaa: {  	[dreg:$0x3] =	wrdreg s6  }
0xab: {  	[dreg:$0x4] =	wrdreg $0xC0  }
0xac: {  	_ =	task [dreg:s8], $0x5FFFF  }
0xad: {  	[dreg:$0x1] =	wrdreg $0xFFFFFFFF  }
0xae: {  	[dreg:$0x0] =	wrdreg $0x60  }
0xaf: {  	[dreg:$0x2] =	wrdreg s24  }
0xb0: {  	[dreg:$0x3] =	wrdreg s2  }
0xb1: {  	[dreg:$0x4] =	wrdreg s18  }
0xb2: {  	[dreg:$0x5] =	wrdreg $0x9  }
0xb3: {  	_ =	task.clear_ibuf [dreg:s8], $0x6FFFF;
	_ =	strace $0x90000046  }
0xb4: {  	s29 =	simm.s32 $0x9;
	_ =	strace $0x80000048  }
0xb5: {  	_ =	swait.ge [sflag:s29], $0x1  }
0xb6: {  	[sflag:s29] =	ssyncadd.s32 $0xFFFFFFFF  }
0xb7: {  	_ =	strace $0x90000048  }
0xb8: {  	_ =	sfence  }
0xb9: {  	s30 =	sld [smem:$0x0];
	_ =	sdelay $0x2  }
0xba: {  	s31 =	sshll.u32 s1, $0xD;
	s1 =	sshrl.u32 s1, $0x2  }
0xbb: {  	s3 =	sand.u32 $0x4000, s31;
	s1 =	sadd.s32 s1, s30  }
0xbc: {  	s0 =	sor.u32 s3, s0;
	s1 =	sshll.u32 s1, $0x11  }
0xbd: {  	s0 =	sor.u32 s1, s0  }
0xbe: {  	s0 =	sadd.s32 $0x8F2B, s0  }
0xbf: {  	[sflag:s0] =	ssyncadd.remote.s32 $0x1  }
0xc0: {  	_ =	sfence.sel $0xFFFF  }
0xc1: {  	[dreg:$0x0] =	wrdreg $0xFFFFFFFF;
	(pc) =	sbr.abs _section_cstart, $3  }
0xc2: {  	[dreg:$0x1] =	wrdreg $0xFFFFFFFF  }
0xc3: {  	_ =	task.clear_ibuf [dreg:s8], $0x2FFFF;
	_ =	strace $0x9FFFFFFF  }
0xc4: {  	(tm) =	ssettm $0x7FFFFFFF  }
0xc5: {  	_ =	shalt  }
tec
execute0_lowered:
.L_overlay_start_1:
0x0: {  	(tag) =	ssettag $0x1  }
0x1: {  	s4 =	rddreg [dreg:$0x0]  }
0x2: {  	s2 =	rddreg [dreg:$0x1];
	s1 =	srdreg.scid  }
0x3: {  	s0 =	stileid.u32;
	s5 =	rddreg [dreg:$0x2];
	s3 =	simm.s32 $0x0  }
0x4: {  	s10 =	simm.s32 $0x48;
	s11 =	simm.s32 $0xA400;
	s12 =	simm.s32 $0xC8  }
0x5: {  	s13 =	simm.s32 $0xE400;
	s14 =	simm.s32 $0x148;
	s15 =	simm.s32 $0x12400  }
0x6: {  	s16 =	simm.s32 $0x1;
	s17 =	simm.s32 $0x2;
	s18 =	simm.s32 $0x3  }
0x7: {  	s19 =	simm.s32 $0x4;
	s20 =	simm.s32 $0x16400;
	s21 =	simm.s32 $0x0  }
0x8: {  	s6 =	sand.u32 $0x1, s1;
	s7 =	sshll.u32 s0, $0x1;
	s1 =	rddreg [dreg:$0x3]  }
0x9: {  	[smem:$0x7FF] =	sst s3;
	s7 =	sor.u32 s6, s7;
	s6 =	ssub.s32 $0x2, s6  }
0xa: {  	s8 =	smul.u32 $0xC80, s7;
	s9 =	sshrl.u32 s6, $0x1;
	s7 =	sshll.u32 s7, $0xB  }
0xb: {  	_ =	strace $0x80000047;
	s6 =	ssub.s32 s6, s9;
	s5 =	sadd.s32 s5, s7  }
0xc: {  	s7 =	simm.s32 $0x5;
	s9 =	simm.s32 $0x6400;
	s4 =	sadd.s32 s8, s4  }
0xd: {  	s6 =	smax.u32 s6, $0x1;
	s8 =	simm.s32 $0x80;
	s4 =	sadd.s32 $0x400, s4  }
.LBB2_1:
0xe: {  	[tilespmem:s3], [sflag:$0x5] =	stream.linear.gather [hbm4b:s4+s3], $0x6400, $0x38;
	[tilespmem:$0x1A400] =	vst v63  }
0xf: {  	_ =	swait.ge [sflag:s7], $0x6400  }
0x10: {  	[sflag:s7] =	ssyncset.done $0x0  }
0x11: {  	[sflag:s7] =	ssyncadd.s32 $0xFFFF9C00  }
0x12: {  	[tilespmem:s9], [sflag:$0x1] =	stream.indirect.gather [hbm4b:s2+s8], $0x80, s3, s8, $0xb8;
	[tilespmem:$0x1A400] =	vst v63  }
0x13: {  	_ = 	snop  }
0x14: {  	[tilespmem:s11], [sflag:$0x2] =	stream.indirect.gather [hbm4b:s2+s10], $0x80, s8, s10, $0xb8;
	[tilespmem:$0x1A400] =	vst v63  }
0x15: {  	_ = 	snop  }
0x16: {  	[tilespmem:s13], [sflag:$0x3] =	stream.indirect.gather [hbm4b:s2+s8], $0x80, s12, s8, $0xb8;
	[tilespmem:$0x1A400] =	vst v63  }
0x17: {  	s22 =	simm.s32 $0x0  }
0x18: {  	[tilespmem:s15], [sflag:$0x4] =	stream.indirect.gather [hbm4b:s2+s10], $0x80, s14, s10, $0xb8;
	[tilespmem:$0x1A400] =	vst v63  }
.LBB2_2:
0x19: {  	p0 =	seq.s32 s22, $0x3F  }
0x1a: {  	s23 =	smul.u32 @!p0 $0x640, s22  }
0x1b: {  	_ =	swait.ge [sflag:s16], $0x4000  }
0x1c: {  	[sflag:s16] =	ssyncset.done $0x0;
	s25 =	simm.s32 @!p0 $0x80;
	s23 =	sshra.s32 @!p0 s23, $0x2  }
0x1d: {  	s26 =	simm.s32 @!p0 $0x6400;
	[sflag:s16] =	ssyncadd.s32 $0xFFFFC000;
	s24 =	sadd.s32 @!p0 $0x190, s23  }
0x1e: {  	[tilespmem:s26], [sflag:$0x1] =	stream.indirect.gather @!p0 [hbm4b:s2+s25], $0x80, s24, s25, $0xb8;
	[tilespmem:$0x1A400] =	vst v63  }
0x1f: {  	s24 =	simm.s32 $0x0  }
0x20: {  	v5 =	vld [tilespmem:s24+$0x6580]  }
0x21: {  	v6 =	vld [tilespmem:s24+$0x6590]  }
0x22: {  	v7 =	vld [tilespmem:s24+$0x65A0]  }
0x23: {  	v10 =	vld [tilespmem:s24+$0x65B0]  }
0x24: {  	v0 =	vld [tilespmem:s24+$0x65C0]  }
0x25: {  	v1 =	vld [tilespmem:s24+$0x65D0]  }
0x26: {  	v19 =	vld [tilespmem:s24+$0x6500]  }
0x27: {  	v21 =	vld [tilespmem:s24+$0x6510]  }
0x28: {  	v9 =	vld [tilespmem:s24+$0x6520]  }
0x29: {  	v20 =	vld [tilespmem:s24+$0x6530]  }
0x2a: {  	v4 =	vld [tilespmem:s24+$0x6540]  }
0x2b: {  	v2 =	vld [tilespmem:s24+$0x6480]  }
0x2c: {  	v3 =	vld [tilespmem:s24+$0x6490]  }
0x2d: {  	v8 =	vld [tilespmem:s24+$0x6400]  }
0x2e: {  	v11 =	vld [tilespmem:s24+$0x6410]  }
0x2f: {  	v12 =	vld [tilespmem:s24+$0x6420]  }
0x30: {  	v14 =	vld [tilespmem:s24+$0x6430]  }
0x31: {  	v16 =	vld [tilespmem:s24+$0x64A0]  }
0x32: {  	v17 =	vld [tilespmem:s24+$0x64B0]  }
0x33: {  	v15 =	vimm.f32 $0.0e+00;
	v13 =	vld [tilespmem:s24+$0x6550]  }
0x34: {  	v22 =	vld [tilespmem:s24+$0x64C0];
	v8 =	vadd.f32 v8, v15  }
0x35: {  	v26 =	vld [tilespmem:s24+$0x64D0];
	v11 =	vadd.f32 v11, v15;
	v12 =	vadd.f32 v12, v15  }
0x36: {  	v27 =	vld [tilespmem:s24+$0x6440];
	v14 =	vadd.f32 v14, v15;
	v30 =	vadd.f32 v2, v8  }
0x37: {  	v18 =	vimm.f32 $0.0e+00;
	v28 =	vld [tilespmem:s24+$0x6450];
	v31 =	vadd.f32 v3, v11;
	v32 =	vadd.f32 v16, v12  }
0x38: {  	s25 =	simm.s32 $0x800;
	v29 =	vld [tilespmem:s24+$0x6460];
	v33 =	vadd.f32 v17, v14;
	v16 =	vimm.f32 $0.0e+00;
	v17 =	vimm.f32 $0.0e+00  }
.LBB2_3:
0x39: {  	p1 =	sne.s32 s25, $0xF800;
	v2 =	vld [tilespmem:s24+$0x6470];
	v3 =	vadd.f32 v19, v30;
	v8 =	vadd.f32 v21, v31  }
0x3a: {  	v11 =	vld [tilespmem:s24+$0x64E0];
	v9 =	vadd.f32 v9, v32;
	v12 =	vadd.f32 v20, v33  }
0x3b: {  	v14 =	vld [tilespmem:s24+$0x64F0];
	v3 =	vadd.f32 v5, v3;
	v8 =	vadd.f32 v6, v8  }
0x3c: {  	v19 =	vld [tilespmem:s24+$0x6560];
	v23 =	vadd.f32 v7, v9;
	v12 =	vadd.f32 v10, v12  }
0x3d: {  	v5 =	vadd.f32 v27, v15;
	v6 =	vadd.f32 v28, v18;
	v9 =	vld [tilespmem:s24+$0x6570]  }
0x3e: {  	v7 =	vadd.f32 v29, v16;
	v2 =	vadd.f32 v2, v17;
	v16 =	vld [tilespmem:s24+$0x65E0]  }
0x3f: {  	v10 =	vadd.f32 v22, v5;
	v15 =	vadd.f32 v26, v6;
	v17 =	vld [tilespmem:s24+$0x65F0];
	s24 =	sshra.s32 s25, $0x2  }
0x40: {  	v11 =	vadd.f32 v11, v7;
	v5 =	vld [tilespmem:s24+$0x6580];
	v2 =	vadd.f32 v14, v2  }
0x41: {  	v4 =	vadd.f32 v4, v10;
	v13 =	vadd.f32 v13, v15;
	v6 =	vld [tilespmem:s24+$0x6590]  }
0x42: {  	v11 =	vadd.f32 v19, v11;
	v7 =	vld [tilespmem:s24+$0x65A0];
	v2 =	vadd.f32 v9, v2  }
0x43: {  	v15 =	vadd.f32 v0, v4;
	v18 =	vadd.f32 v1, v13;
	v10 =	vld [tilespmem:s24+$0x65B0]  }
0x44: {  	v16 =	vadd.f32 v16, v11;
	v0 =	vld [tilespmem:s24+$0x65C0];
	v17 =	vadd.f32 v17, v2  }
0x45: {  	v1 =	vld [tilespmem:s24+$0x65D0]  }
0x46: {  	v19 =	vld [tilespmem:s24+$0x6500]  }
0x47: {  	v21 =	vld [tilespmem:s24+$0x6510]  }
0x48: {  	v9 =	vld [tilespmem:s24+$0x6520]  }
0x49: {  	v20 =	vld [tilespmem:s24+$0x6530]  }
0x4a: {  	v4 =	vld [tilespmem:s24+$0x6540]  }
0x4b: {  	v13 =	vld [tilespmem:s24+$0x6550]  }
0x4c: {  	v2 =	vld [tilespmem:s24+$0x6480]  }
0x4d: {  	v11 =	vld [tilespmem:s24+$0x6490]  }
0x4e: {  	v14 =	vld [tilespmem:s24+$0x6400]  }
0x4f: {  	v24 =	vld [tilespmem:s24+$0x6410]  }
0x50: {  	v25 =	vld [tilespmem:s24+$0x6420]  }
0x51: {  	v27 =	vld [tilespmem:s24+$0x6430]  }
0x52: {  	v32 =	vld [tilespmem:s24+$0x64A0]  }
0x53: {  	v33 =	vld [tilespmem:s24+$0x64B0]  }
.Ltmp0:
0x54: {  	v22 =	vld [tilespmem:s24+$0x64C0];
	(pc) =	sbr.rel @p1 .LBB2_3-.Ltmp0, $4  }
0x55: {  	v3 =	vadd.f32 v14, v3;
	v8 =	vadd.f32 v24, v8;
	v26 =	vld [tilespmem:s24+$0x64D0]  }
0x56: {  	v14 =	vadd.f32 v25, v23;
	v12 =	vadd.f32 v27, v12;
	v27 =	vld [tilespmem:s24+$0x6440]  }
0x57: {  	v30 =	vadd.f32 v2, v3;
	v31 =	vadd.f32 v11, v8;
	v28 =	vld [tilespmem:s24+$0x6450]  }
0x58: {  	s25 =	sadd.s32 $0x800, s25;
	v32 =	vadd.f32 v32, v14;
	v29 =	vld [tilespmem:s24+$0x6460];
	v33 =	vadd.f32 v33, v12  }
0x59: {  	v34 =	vld [tilespmem:s24+$0x6470]  }
0x5a: {  	v35 =	vld [tilespmem:s24+$0x64E0]  }
0x5b: {  	v36 =	vld [tilespmem:s24+$0x64F0]  }
0x5c: {  	v37 =	vld [tilespmem:s24+$0x6560]  }
0x5d: {  	v38 =	vld [tilespmem:s24+$0x6570]  }
0x5e: {  	v39 =	vld [tilespmem:s24+$0x65E0]  }
0x5f: {  	v40 =	vld [tilespmem:s24+$0x65F0];
	_ =	swait.ge [sflag:s17], $0x2400  }
0x60: {  	s24 =	sadd.s32 @!p0 $0x210, s23;
	[sflag:s17] =	ssyncset.done $0x0  }
0x61: {  	s25 =	simm.s32 @!p0 $0x48;
	s26 =	simm.s32 @!p0 $0xA400;
	[sflag:s17] =	ssyncadd.s32 $0xFFFFDC00  }
0x62: {  	[tilespmem:s26], [sflag:$0x2] =	stream.indirect.gather @!p0 [hbm4b:s2+s25], $0x80, s24, s25, $0xb8;
	[tilespmem:$0x1A400] =	vst v63  }
0x63: {  	s24 =	simm.s32 $0x0  }
0x64: {  	v8 =	vld [tilespmem:s24+$0xA580]  }
0x65: {  	v11 =	vld [tilespmem:s24+$0xA590]  }
0x66: {  	v12 =	vld [tilespmem:s24+$0xA5A0]  }
0x67: {  	v14 =	vld [tilespmem:s24+$0xA5B0]  }
0x68: {  	v2 =	vld [tilespmem:s24+$0xA5C0]  }
0x69: {  	v3 =	vld [tilespmem:s24+$0xA5D0]  }
0x6a: {  	v24 =	vld [tilespmem:s24+$0xA500]  }
0x6b: {  	v25 =	vld [tilespmem:s24+$0xA510]  }
0x6c: {  	v23 =	vld [tilespmem:s24+$0xA520]  }
0x6d: {  	v30 =	vadd.f32 v19, v30;
	v21 =	vadd.f32 v21, v31;
	v19 =	vld [tilespmem:s24+$0xA530]  }
0x6e: {  	v61 =	vadd.f32 v9, v32;
	v20 =	vadd.f32 v20, v33;
	v9 =	vld [tilespmem:s24+$0xA540]  }
0x6f: {  	v30 =	vadd.f32 v5, v30;
	v21 =	vadd.f32 v6, v21;
	v5 =	vld [tilespmem:s24+$0xA550]  }
0x70: {  	v6 =	vadd.f32 v27, v15;
	v31 =	vadd.f32 v7, v61;
	v62 =	vld [tilespmem:s24+$0xA480]  }
0x71: {  	v20 =	vadd.f32 v10, v20;
	v7 =	vadd.f32 v28, v18;
	v18 =	vld [tilespmem:s24+$0xA490]  }
0x72: {  	v10 =	vadd.f32 v29, v16;
	v16 =	vld [tilespmem:s24+$0xA400];
	v6 =	vadd.f32 v22, v6  }
0x73: {  	v22 =	vld [tilespmem:s24+$0xA420];
	v15 =	vadd.f32 v34, v17;
	v7 =	vadd.f32 v26, v7  }
0x74: {  	v17 =	vld [tilespmem:s24+$0xA410];
	v10 =	vadd.f32 v35, v10;
	v4 =	vadd.f32 v4, v6  }
0x75: {  	v15 =	vadd.f32 v36, v15;
	v7 =	vadd.f32 v13, v7;
	v13 =	vld [tilespmem:s24+$0xA430]  }
0x76: {  	v27 =	vld [tilespmem:s24+$0xA4B0];
	v10 =	vadd.f32 v37, v10;
	v6 =	vadd.f32 v0, v4  }
0x77: {  	v26 =	vld [tilespmem:s24+$0xA4A0];
	v15 =	vadd.f32 v38, v15;
	v1 =	vadd.f32 v1, v7  }
0x78: {  	v7 =	vld [tilespmem:s24+$0xA4C0];
	v16 =	vadd.f32 v16, v30;
	v22 =	vadd.f32 v22, v31  }
0x79: {  	v4 =	vadd.f32 v39, v10;
	v21 =	vadd.f32 v17, v21;
	v10 =	vld [tilespmem:s24+$0xA4D0]  }
0x7a: {  	v0 =	vadd.f32 v40, v15;
	v15 =	vld [tilespmem:s24+$0xA450];
	v63 =	vadd.f32 v13, v20  }
0x7b: {  	v17 =	vadd.f32 v62, v16;
	v16 =	vld [tilespmem:s24+$0xA460];
	v18 =	vadd.f32 v18, v21  }
0x7c: {  	s25 =	simm.s32 $0x800;
	v13 =	vld [tilespmem:s24+$0xA440];
	v20 =	vadd.f32 v26, v22;
	v21 =	vadd.f32 v27, v63  }
.LBB2_5:
0x7d: {  	p1 =	sne.s32 s25, $0x8800;
	v22 =	vld [tilespmem:s24+$0xA470];
	v17 =	vadd.f32 v24, v17;
	v18 =	vadd.f32 v25, v18  }
0x7e: {  	v24 =	vld [tilespmem:s24+$0xA4E0];
	v20 =	vadd.f32 v23, v20;
	v19 =	vadd.f32 v19, v21  }
0x7f: {  	v21 =	vld [tilespmem:s24+$0xA4F0];
	v17 =	vadd.f32 v8, v17;
	v18 =	vadd.f32 v11, v18  }
0x80: {  	v23 =	vld [tilespmem:s24+$0xA560];
	v20 =	vadd.f32 v12, v20;
	v26 =	vadd.f32 v14, v19  }
0x81: {  	v6 =	vadd.f32 v13, v6;
	v1 =	vadd.f32 v15, v1;
	v13 =	vld [tilespmem:s24+$0xA570]  }
0x82: {  	v4 =	vadd.f32 v16, v4;
	v0 =	vadd.f32 v22, v0;
	v15 =	vld [tilespmem:s24+$0xA5E0]  }
0x83: {  	v6 =	vadd.f32 v7, v6;
	v1 =	vadd.f32 v10, v1;
	v7 =	vld [tilespmem:s24+$0xA5F0];
	s24 =	sshra.s32 s25, $0x2  }
0x84: {  	v4 =	vadd.f32 v24, v4;
	v8 =	vld [tilespmem:s24+$0xA580];
	v0 =	vadd.f32 v21, v0  }
0x85: {  	v6 =	vadd.f32 v9, v6;
	v1 =	vadd.f32 v5, v1;
	v11 =	vld [tilespmem:s24+$0xA590]  }
0x86: {  	v4 =	vadd.f32 v23, v4;
	v12 =	vld [tilespmem:s24+$0xA5A0];
	v0 =	vadd.f32 v13, v0  }
0x87: {  	v6 =	vadd.f32 v2, v6;
	v1 =	vadd.f32 v3, v1;
	v14 =	vld [tilespmem:s24+$0xA5B0]  }
0x88: {  	v4 =	vadd.f32 v15, v4;
	v2 =	vld [tilespmem:s24+$0xA5C0];
	v0 =	vadd.f32 v7, v0  }
0x89: {  	v3 =	vld [tilespmem:s24+$0xA5D0]  }
0x8a: {  	v24 =	vld [tilespmem:s24+$0xA500]  }
0x8b: {  	v25 =	vld [tilespmem:s24+$0xA510]  }
0x8c: {  	v23 =	vld [tilespmem:s24+$0xA520]  }
0x8d: {  	v19 =	vld [tilespmem:s24+$0xA530]  }
0x8e: {  	v9 =	vld [tilespmem:s24+$0xA540]  }
0x8f: {  	v5 =	vld [tilespmem:s24+$0xA550]  }
0x90: {  	v16 =	vld [tilespmem:s24+$0xA480]  }
0x91: {  	v21 =	vld [tilespmem:s24+$0xA490]  }
0x92: {  	v10 =	vld [tilespmem:s24+$0xA400]  }
0x93: {  	v13 =	vld [tilespmem:s24+$0xA410]  }
0x94: {  	v15 =	vld [tilespmem:s24+$0xA420]  }
0x95: {  	v22 =	vld [tilespmem:s24+$0xA430]  }
0x96: {  	v27 =	vld [tilespmem:s24+$0xA4A0]  }
0x97: {  	v28 =	vld [tilespmem:s24+$0xA4B0]  }
.Ltmp1:
0x98: {  	v7 =	vld [tilespmem:s24+$0xA4C0];
	(pc) =	sbr.rel @p1 .LBB2_5-.Ltmp1, $4  }
0x99: {  	v17 =	vadd.f32 v10, v17;
	v18 =	vadd.f32 v13, v18;
	v10 =	vld [tilespmem:s24+$0xA4D0]  }
0x9a: {  	v20 =	vadd.f32 v15, v20;
	v22 =	vadd.f32 v22, v26;
	v13 =	vld [tilespmem:s24+$0xA440]  }
0x9b: {  	v17 =	vadd.f32 v16, v17;
	v18 =	vadd.f32 v21, v18;
	v15 =	vld [tilespmem:s24+$0xA450]  }
0x9c: {  	s25 =	sadd.s32 $0x800, s25;
	v20 =	vadd.f32 v27, v20;
	v16 =	vld [tilespmem:s24+$0xA460];
	v21 =	vadd.f32 v28, v22  }
0x9d: {  	v22 =	vld [tilespmem:s24+$0xA470];
	v17 =	vadd.f32 v24, v17;
	v18 =	vadd.f32 v25, v18  }
0x9e: {  	v24 =	vld [tilespmem:s24+$0xA4E0];
	v20 =	vadd.f32 v23, v20;
	v19 =	vadd.f32 v19, v21  }
0x9f: {  	v21 =	vld [tilespmem:s24+$0xA4F0];
	v8 =	vadd.f32 v8, v17;
	v11 =	vadd.f32 v11, v18  }
0xa0: {  	v17 =	vld [tilespmem:s24+$0xA560];
	v6 =	vadd.f32 v13, v6;
	v12 =	vadd.f32 v12, v20  }
0xa1: {  	v13 =	vadd.f32 v14, v19;
	v1 =	vadd.f32 v15, v1;
	v14 =	vld [tilespmem:s24+$0xA570]  }
0xa2: {  	s25 =	sshll.u32 s22, $0x8;
	v15 =	vld [tilespmem:s24+$0xA5E0];
	v4 =	vadd.f32 v16, v4;
	v6 =	vadd.f32 v7, v6  }
0xa3: {  	v7 =	vld [tilespmem:s24+$0xA5F0];
	s24 =	sand.u32 $0x3FFFFF00, s25;
	v0 =	vadd.f32 v22, v0;
	v1 =	vadd.f32 v10, v1  }
0xa4: {  	[tilespmem:s24+$0x16400] =	vst v8;
	v4 =	vadd.f32 v24, v4;
	v6 =	vadd.f32 v9, v6  }
0xa5: {  	[tilespmem:s24+$0x16410] =	vst v11;
	v0 =	vadd.f32 v21, v0;
	v1 =	vadd.f32 v5, v1  }
0xa6: {  	[tilespmem:s24+$0x16420] =	vst v12;
	v4 =	vadd.f32 v17, v4;
	v2 =	vadd.f32 v2, v6  }
0xa7: {  	[tilespmem:s24+$0x16430] =	vst v13;
	v0 =	vadd.f32 v14, v0;
	v1 =	vadd.f32 v3, v1  }
0xa8: {  	v3 =	vadd.f32 v15, v4;
	[tilespmem:s24+$0x16440] =	vst v2  }
0xa9: {  	v0 =	vadd.f32 v7, v0;
	[tilespmem:s24+$0x16450] =	vst v1  }
0xaa: {  	[tilespmem:s24+$0x16460] =	vst v3  }
0xab: {  	[tilespmem:s24+$0x16470] =	vst v0  }
0xac: {  	_ =	swait.ge [sflag:s18], $0x4000  }
0xad: {  	s26 =	simm.s32 @!p0 $0x80;
	[sflag:s18] =	ssyncset.done $0x0  }
0xae: {  	s28 =	simm.s32 @!p0 $0xE400;
	s25 =	sadd.s32 @!p0 $0x258, s23;
	[sflag:s18] =	ssyncadd.s32 $0xFFFFC000  }
0xaf: {  	[tilespmem:s28], [sflag:$0x3] =	stream.indirect.gather @!p0 [hbm4b:s2+s26], $0x80, s25, s26, $0xb8;
	[tilespmem:$0x1A400] =	vst v63  }
0xb0: {  	s25 =	simm.s32 $0x0  }
0xb1: {  	v5 =	vld [tilespmem:s25+$0xE580]  }
0xb2: {  	v6 =	vld [tilespmem:s25+$0xE590]  }
0xb3: {  	v7 =	vld [tilespmem:s25+$0xE5A0]  }
0xb4: {  	v9 =	vld [tilespmem:s25+$0xE5B0]  }
0xb5: {  	v0 =	vld [tilespmem:s25+$0xE5C0]  }
0xb6: {  	v1 =	vld [tilespmem:s25+$0xE5D0]  }
0xb7: {  	v19 =	vld [tilespmem:s25+$0xE500]  }
0xb8: {  	v21 =	vld [tilespmem:s25+$0xE510]  }
0xb9: {  	v13 =	vld [tilespmem:s25+$0xE520]  }
0xba: {  	v20 =	vld [tilespmem:s25+$0xE530]  }
0xbb: {  	v4 =	vld [tilespmem:s25+$0xE540]  }
0xbc: {  	v2 =	vld [tilespmem:s25+$0xE480]  }
0xbd: {  	v3 =	vld [tilespmem:s25+$0xE490]  }
0xbe: {  	v8 =	vld [tilespmem:s25+$0xE400]  }
0xbf: {  	v10 =	vld [tilespmem:s25+$0xE410]  }
0xc0: {  	v11 =	vld [tilespmem:s25+$0xE420]  }
0xc1: {  	v14 =	vld [tilespmem:s25+$0xE430]  }
0xc2: {  	v16 =	vld [tilespmem:s25+$0xE4A0]  }
0xc3: {  	v17 =	vld [tilespmem:s25+$0xE4B0]  }
0xc4: {  	v15 =	vimm.f32 $0.0e+00;
	v12 =	vld [tilespmem:s25+$0xE550]  }
0xc5: {  	v22 =	vld [tilespmem:s25+$0xE4C0];
	v8 =	vadd.f32 v8, v15  }
0xc6: {  	v26 =	vld [tilespmem:s25+$0xE4D0];
	v10 =	vadd.f32 v10, v15;
	v11 =	vadd.f32 v11, v15  }
0xc7: {  	v27 =	vld [tilespmem:s25+$0xE440];
	v14 =	vadd.f32 v14, v15;
	v30 =	vadd.f32 v2, v8  }
0xc8: {  	v18 =	vimm.f32 $0.0e+00;
	v28 =	vld [tilespmem:s25+$0xE450];
	v31 =	vadd.f32 v3, v10;
	v32 =	vadd.f32 v16, v11  }
0xc9: {  	s26 =	simm.s32 $0x800;
	v29 =	vld [tilespmem:s25+$0xE460];
	v33 =	vadd.f32 v17, v14;
	v16 =	vimm.f32 $0.0e+00;
	v17 =	vimm.f32 $0.0e+00  }
.LBB2_7:
0xca: {  	p1 =	sne.s32 s26, $0xF800;
	v2 =	vld [tilespmem:s25+$0xE470];
	v3 =	vadd.f32 v19, v30;
	v8 =	vadd.f32 v21, v31  }
0xcb: {  	v10 =	vld [tilespmem:s25+$0xE4E0];
	v11 =	vadd.f32 v13, v32;
	v13 =	vadd.f32 v20, v33  }
0xcc: {  	v14 =	vld [tilespmem:s25+$0xE4F0];
	v3 =	vadd.f32 v5, v3;
	v8 =	vadd.f32 v6, v8  }
0xcd: {  	v19 =	vld [tilespmem:s25+$0xE560];
	v11 =	vadd.f32 v7, v11;
	v23 =	vadd.f32 v9, v13  }
0xce: {  	v5 =	vadd.f32 v27, v15;
	v6 =	vadd.f32 v28, v18;
	v9 =	vld [tilespmem:s25+$0xE570]  }
0xcf: {  	v7 =	vadd.f32 v29, v16;
	v2 =	vadd.f32 v2, v17;
	v13 =	vld [tilespmem:s25+$0xE5E0]  }
0xd0: {  	v15 =	vadd.f32 v22, v5;
	v16 =	vadd.f32 v26, v6;
	v17 =	vld [tilespmem:s25+$0xE5F0];
	s25 =	sshra.s32 s26, $0x2  }
0xd1: {  	v10 =	vadd.f32 v10, v7;
	v5 =	vld [tilespmem:s25+$0xE580];
	v2 =	vadd.f32 v14, v2  }
0xd2: {  	v4 =	vadd.f32 v4, v15;
	v12 =	vadd.f32 v12, v16;
	v6 =	vld [tilespmem:s25+$0xE590]  }
0xd3: {  	v10 =	vadd.f32 v19, v10;
	v7 =	vld [tilespmem:s25+$0xE5A0];
	v2 =	vadd.f32 v9, v2  }
0xd4: {  	v15 =	vadd.f32 v0, v4;
	v18 =	vadd.f32 v1, v12;
	v9 =	vld [tilespmem:s25+$0xE5B0]  }
0xd5: {  	v16 =	vadd.f32 v13, v10;
	v0 =	vld [tilespmem:s25+$0xE5C0];
	v17 =	vadd.f32 v17, v2  }
0xd6: {  	v1 =	vld [tilespmem:s25+$0xE5D0]  }
0xd7: {  	v19 =	vld [tilespmem:s25+$0xE500]  }
0xd8: {  	v21 =	vld [tilespmem:s25+$0xE510]  }
0xd9: {  	v13 =	vld [tilespmem:s25+$0xE520]  }
0xda: {  	v20 =	vld [tilespmem:s25+$0xE530]  }
0xdb: {  	v4 =	vld [tilespmem:s25+$0xE540]  }
0xdc: {  	v12 =	vld [tilespmem:s25+$0xE550]  }
0xdd: {  	v2 =	vld [tilespmem:s25+$0xE480]  }
0xde: {  	v10 =	vld [tilespmem:s25+$0xE490]  }
0xdf: {  	v14 =	vld [tilespmem:s25+$0xE400]  }
0xe0: {  	v24 =	vld [tilespmem:s25+$0xE410]  }
0xe1: {  	v25 =	vld [tilespmem:s25+$0xE420]  }
0xe2: {  	v27 =	vld [tilespmem:s25+$0xE430]  }
0xe3: {  	v32 =	vld [tilespmem:s25+$0xE4A0]  }
0xe4: {  	v33 =	vld [tilespmem:s25+$0xE4B0]  }
.Ltmp2:
0xe5: {  	v22 =	vld [tilespmem:s25+$0xE4C0];
	(pc) =	sbr.rel @p1 .LBB2_7-.Ltmp2, $4  }
0xe6: {  	v3 =	vadd.f32 v14, v3;
	v8 =	vadd.f32 v24, v8;
	v26 =	vld [tilespmem:s25+$0xE4D0]  }
0xe7: {  	v11 =	vadd.f32 v25, v11;
	v14 =	vadd.f32 v27, v23;
	v27 =	vld [tilespmem:s25+$0xE440]  }
0xe8: {  	v30 =	vadd.f32 v2, v3;
	v31 =	vadd.f32 v10, v8;
	v28 =	vld [tilespmem:s25+$0xE450]  }
0xe9: {  	s26 =	sadd.s32 $0x800, s26;
	v32 =	vadd.f32 v32, v11;
	v29 =	vld [tilespmem:s25+$0xE460];
	v33 =	vadd.f32 v33, v14  }
0xea: {  	v34 =	vld [tilespmem:s25+$0xE470]  }
0xeb: {  	v35 =	vld [tilespmem:s25+$0xE4E0]  }
0xec: {  	v36 =	vld [tilespmem:s25+$0xE4F0]  }
0xed: {  	v37 =	vld [tilespmem:s25+$0xE560]  }
0xee: {  	v38 =	vld [tilespmem:s25+$0xE570]  }
0xef: {  	v39 =	vld [tilespmem:s25+$0xE5E0]  }
0xf0: {  	v40 =	vld [tilespmem:s25+$0xE5F0];
	_ =	swait.ge [sflag:s19], $0x2400  }
0xf1: {  	s23 =	sadd.s32 @!p0 $0x2D8, s23;
	[sflag:s19] =	ssyncset.done $0x0  }
0xf2: {  	s25 =	simm.s32 @!p0 $0x48;
	s26 =	simm.s32 @!p0 $0x12400;
	[sflag:s19] =	ssyncadd.s32 $0xFFFFDC00  }
0xf3: {  	[tilespmem:s26], [sflag:$0x4] =	stream.indirect.gather @!p0 [hbm4b:s2+s25], $0x80, s23, s25, $0xb8;
	[tilespmem:$0x1A400] =	vst v63  }
0xf4: {  	s23 =	simm.s32 $0x0  }
0xf5: {  	v8 =	vld [tilespmem:s23+$0x12580]  }
0xf6: {  	v10 =	vld [tilespmem:s23+$0x12590]  }
0xf7: {  	v11 =	vld [tilespmem:s23+$0x125A0]  }
0xf8: {  	v14 =	vld [tilespmem:s23+$0x125B0]  }
0xf9: {  	v2 =	vld [tilespmem:s23+$0x125C0]  }
0xfa: {  	v3 =	vld [tilespmem:s23+$0x125D0]  }
0xfb: {  	v24 =	vld [tilespmem:s23+$0x12500]  }
0xfc: {  	v25 =	vld [tilespmem:s23+$0x12510]  }
0xfd: {  	v23 =	vld [tilespmem:s23+$0x12520]  }
0xfe: {  	v30 =	vadd.f32 v19, v30;
	v21 =	vadd.f32 v21, v31;
	v19 =	vld [tilespmem:s23+$0x12530]  }
0xff: {  	v61 =	vadd.f32 v13, v32;
	v20 =	vadd.f32 v20, v33;
	v13 =	vld [tilespmem:s23+$0x12540]  }
0x100: {  	v30 =	vadd.f32 v5, v30;
	v21 =	vadd.f32 v6, v21;
	v5 =	vld [tilespmem:s23+$0x12550]  }
0x101: {  	v6 =	vadd.f32 v27, v15;
	v31 =	vadd.f32 v7, v61;
	v62 =	vld [tilespmem:s23+$0x12480]  }
0x102: {  	v20 =	vadd.f32 v9, v20;
	v7 =	vadd.f32 v28, v18;
	v18 =	vld [tilespmem:s23+$0x12490]  }
0x103: {  	v9 =	vadd.f32 v29, v16;
	v16 =	vld [tilespmem:s23+$0x12400];
	v6 =	vadd.f32 v22, v6  }
0x104: {  	v22 =	vld [tilespmem:s23+$0x12420];
	v15 =	vadd.f32 v34, v17;
	v7 =	vadd.f32 v26, v7  }
0x105: {  	v17 =	vld [tilespmem:s23+$0x12410];
	v9 =	vadd.f32 v35, v9;
	v4 =	vadd.f32 v4, v6  }
0x106: {  	v15 =	vadd.f32 v36, v15;
	v7 =	vadd.f32 v12, v7;
	v12 =	vld [tilespmem:s23+$0x12430]  }
0x107: {  	v27 =	vld [tilespmem:s23+$0x124B0];
	v9 =	vadd.f32 v37, v9;
	v6 =	vadd.f32 v0, v4  }
0x108: {  	v26 =	vld [tilespmem:s23+$0x124A0];
	v15 =	vadd.f32 v38, v15;
	v1 =	vadd.f32 v1, v7  }
0x109: {  	v7 =	vld [tilespmem:s23+$0x124C0];
	v16 =	vadd.f32 v16, v30;
	v22 =	vadd.f32 v22, v31  }
0x10a: {  	v4 =	vadd.f32 v39, v9;
	v21 =	vadd.f32 v17, v21;
	v9 =	vld [tilespmem:s23+$0x124D0]  }
0x10b: {  	v0 =	vadd.f32 v40, v15;
	v15 =	vld [tilespmem:s23+$0x12450];
	v63 =	vadd.f32 v12, v20  }
0x10c: {  	v17 =	vadd.f32 v62, v16;
	v16 =	vld [tilespmem:s23+$0x12460];
	v18 =	vadd.f32 v18, v21  }
0x10d: {  	s25 =	simm.s32 $0x800;
	v12 =	vld [tilespmem:s23+$0x12440];
	v20 =	vadd.f32 v26, v22;
	v21 =	vadd.f32 v27, v63  }
.LBB2_9:
0x10e: {  	p0 =	sne.s32 s25, $0x8800;
	v22 =	vld [tilespmem:s23+$0x12470];
	v17 =	vadd.f32 v24, v17;
	v18 =	vadd.f32 v25, v18  }
0x10f: {  	v24 =	vld [tilespmem:s23+$0x124E0];
	v20 =	vadd.f32 v23, v20;
	v19 =	vadd.f32 v19, v21  }
0x110: {  	v21 =	vld [tilespmem:s23+$0x124F0];
	v17 =	vadd.f32 v8, v17;
	v18 =	vadd.f32 v10, v18  }
0x111: {  	v23 =	vld [tilespmem:s23+$0x12560];
	v20 =	vadd.f32 v11, v20;
	v26 =	vadd.f32 v14, v19  }
0x112: {  	v6 =	vadd.f32 v12, v6;
	v1 =	vadd.f32 v15, v1;
	v12 =	vld [tilespmem:s23+$0x12570]  }
0x113: {  	v4 =	vadd.f32 v16, v4;
	v0 =	vadd.f32 v22, v0;
	v15 =	vld [tilespmem:s23+$0x125E0]  }
0x114: {  	v6 =	vadd.f32 v7, v6;
	v1 =	vadd.f32 v9, v1;
	v7 =	vld [tilespmem:s23+$0x125F0];
	s23 =	sshra.s32 s25, $0x2  }
0x115: {  	v4 =	vadd.f32 v24, v4;
	v8 =	vld [tilespmem:s23+$0x12580];
	v0 =	vadd.f32 v21, v0  }
0x116: {  	v6 =	vadd.f32 v13, v6;
	v1 =	vadd.f32 v5, v1;
	v10 =	vld [tilespmem:s23+$0x12590]  }
0x117: {  	v4 =	vadd.f32 v23, v4;
	v11 =	vld [tilespmem:s23+$0x125A0];
	v0 =	vadd.f32 v12, v0  }
0x118: {  	v6 =	vadd.f32 v2, v6;
	v1 =	vadd.f32 v3, v1;
	v14 =	vld [tilespmem:s23+$0x125B0]  }
0x119: {  	v4 =	vadd.f32 v15, v4;
	v2 =	vld [tilespmem:s23+$0x125C0];
	v0 =	vadd.f32 v7, v0  }
0x11a: {  	v3 =	vld [tilespmem:s23+$0x125D0]  }
0x11b: {  	v24 =	vld [tilespmem:s23+$0x12500]  }
0x11c: {  	v25 =	vld [tilespmem:s23+$0x12510]  }
0x11d: {  	v23 =	vld [tilespmem:s23+$0x12520]  }
0x11e: {  	v19 =	vld [tilespmem:s23+$0x12530]  }
0x11f: {  	v13 =	vld [tilespmem:s23+$0x12540]  }
0x120: {  	v5 =	vld [tilespmem:s23+$0x12550]  }
0x121: {  	v16 =	vld [tilespmem:s23+$0x12480]  }
0x122: {  	v21 =	vld [tilespmem:s23+$0x12490]  }
0x123: {  	v9 =	vld [tilespmem:s23+$0x12400]  }
0x124: {  	v12 =	vld [tilespmem:s23+$0x12410]  }
0x125: {  	v15 =	vld [tilespmem:s23+$0x12420]  }
0x126: {  	v22 =	vld [tilespmem:s23+$0x12430]  }
0x127: {  	v27 =	vld [tilespmem:s23+$0x124A0]  }
0x128: {  	v28 =	vld [tilespmem:s23+$0x124B0]  }
.Ltmp3:
0x129: {  	v7 =	vld [tilespmem:s23+$0x124C0];
	(pc) =	sbr.rel @p0 .LBB2_9-.Ltmp3, $4  }
0x12a: {  	v17 =	vadd.f32 v9, v17;
	v18 =	vadd.f32 v12, v18;
	v9 =	vld [tilespmem:s23+$0x124D0]  }
0x12b: {  	v20 =	vadd.f32 v15, v20;
	v22 =	vadd.f32 v22, v26;
	v12 =	vld [tilespmem:s23+$0x12440]  }
0x12c: {  	v17 =	vadd.f32 v16, v17;
	v18 =	vadd.f32 v21, v18;
	v15 =	vld [tilespmem:s23+$0x12450]  }
0x12d: {  	s25 =	sadd.s32 $0x800, s25;
	v20 =	vadd.f32 v27, v20;
	v16 =	vld [tilespmem:s23+$0x12460];
	v21 =	vadd.f32 v28, v22  }
0x12e: {  	v17 =	vadd.f32 v24, v17;
	v18 =	vadd.f32 v25, v18  }
0x12f: {  	v22 =	vld [tilespmem:s23+$0x12470];
	v20 =	vadd.f32 v23, v20;
	v19 =	vadd.f32 v19, v21  }
0x130: {  	v56 =	vld [tilespmem:s23+$0x124E0];
	v8 =	vadd.f32 v8, v17;
	v10 =	vadd.f32 v10, v18  }
0x131: {  	v57 =	vld [tilespmem:s23+$0x124F0];
	v6 =	vadd.f32 v12, v6;
	v11 =	vadd.f32 v11, v20  }
0x132: {  	v58 =	vld [tilespmem:s23+$0x12560];
	v59 =	vadd.f32 v14, v19;
	v1 =	vadd.f32 v15, v1  }
0x133: {  	v60 =	vld [tilespmem:s23+$0x12570];
	v4 =	vadd.f32 v16, v4;
	v6 =	vadd.f32 v7, v6  }
0x134: {  	v61 =	vld [tilespmem:s23+$0x125E0];
	v0 =	vadd.f32 v22, v0;
	v1 =	vadd.f32 v9, v1  }
0x135: {  	v62 =	vld [tilespmem:s23+$0x125F0];
	[tilespmem:s24+$0x16480] =	vst v8;
	v4 =	vadd.f32 v56, v4;
	v6 =	vadd.f32 v13, v6  }
0x136: {  	s22 =	sadd.s32 $0x1, s22;
	[tilespmem:s24+$0x16490] =	vst v10;
	v0 =	vadd.f32 v57, v0;
	v1 =	vadd.f32 v5, v1  }
0x137: {  	p0 =	sne.s32 s22, $0x40;
	[tilespmem:s24+$0x164A0] =	vst v11;
	v4 =	vadd.f32 v58, v4;
	v2 =	vadd.f32 v2, v6  }
.Ltmp4:
0x138: {  	[tilespmem:s24+$0x164B0] =	vst v59;
	v0 =	vadd.f32 v60, v0;
	v1 =	vadd.f32 v3, v1;
	(pc) =	sbr.rel @p0 .LBB2_2-.Ltmp4, $4  }
0x139: {  	v63 =	vadd.f32 v61, v4;
	[tilespmem:s24+$0x164C0] =	vst v2  }
0x13a: {  	v0 =	vadd.f32 v62, v0;
	[tilespmem:s24+$0x164D0] =	vst v1  }
0x13b: {  	[tilespmem:s24+$0x164E0] =	vst v63  }
0x13c: {  	[tilespmem:s24+$0x164F0] =	vst v0  }
0x13d: {  	s21 =	sadd.s32 $0x1, s21  }
0x13e: {  	p0 =	sne.s32 s21, s6  }
.Ltmp5:
0x13f: {  	_ = 	snop;
	(pc) =	sbr.rel @p0 .LBB2_1-.Ltmp5, $4  }
0x140: {  	[hbm4b:s5+s3] =	stream.linear.scatter [tilespmem:s20], [sflag:$0x5], $0x4000, $0x38;
	[tilespmem:$0x1A400] =	vst v63  }
0x141: {  	_ =	swait.ge [sflag:s7], $0x4000  }
0x142: {  	[sflag:s7] =	ssyncset.done $0x0  }
0x143: {  	[sflag:s7] =	ssyncadd.s32 $0xFFFFC000  }
0x144: {  	_ =	sfence.sel $0x180000  }
0x145: {  	[bflag:$0x0] =	sbarrier.arrive $0xFFFF  }
0x146: {  	p0 =	sne.s32 s0, $0x0;
	_ =	strace $0x90000047  }
0x147: {  	s0 =	sadd.s32 @!p0 $0x100000, s1;
	[bflag:$0x2] =	sbarrier.arrive $0xFFFF  }
0x148: {  	[sflag:s0] =	ssyncadd.tile.s32 @!p0 $0x1;
	_ =	shalt  }
.Lfunc_end2:
_tile_overlayer_lowered:
.L_overlay_start_2:
0x149: {  	(tag) =	ssettag $0x2  }
0x14a: {  	s0 =	rddreg [dreg:$0x0];
	s2 =	stileid.u32  }
0x14b: {  	s1 =	rddreg [dreg:$0x1];
	p0 =	sne.s32 s2, $0x0  }
0x14c: {  	s3 =	rddreg [dreg:$0x2];
	[bflag:$0x3] =	sbarrier.arrive $0xFFFF;
	s2 =	simm.s32 @!p0 $0x1C05  }
0x14d: {  	[timem:s3], [sflag:s2] =	dma.local @!p0 [hbm:s0], s1  }
0x14e: {  	s0 =	simm.s32 @!p0 $0x5  }
0x14f: {  	_ =	swait.ge @!p0 [sflag:s0], s1  }
0x150: {  	s1 =	ssub.s32 @!p0 $0x0, s1;
	[sflag:s0] =	ssyncset.done @!p0 $0x0  }
0x151: {  	[sflag:s0] =	ssyncadd.s32 @!p0 s1  }
0x152: {  	[bflag:$0x3] =	sbarrier.arrive $0xFFFF  }
0x153: {  	_ =	shalt  }

</sc_bundles>
